<compile_context>
chip_gen: v7x
topology: tpu7x:2x2x1
jax: 0.10.2.dev20260603
libtpu: 0.0.44.dev20260713+nightly
codegen_flags: <defaults>
</compile_context>

<pallas_src>
import functools

import jax
import jax.numpy as jnp
from jax import lax
from jax.experimental import pallas as pl
from jax.experimental.pallas import tpu as pltpu
from jax.experimental.pallas import tpu_sc as plsc

_E = 64
_K = 2
_D = 1024
_I = 512
_IS = 1024
_BT = 64
_TMAX = 128
_NPAD = _TMAX * _BT
_NC, _NS = 2, 16
_NW = _NC * _NS


def _router_body(x_ref, gw_ref, w_ref, p_ref, te_ref, tv_ref):
    s = x_ref.shape[0]
    scores = jax.nn.sigmoid(
        jnp.dot(x_ref[...], gw_ref[...].T, preferred_element_type=jnp.float32))
    iota_e = lax.broadcasted_iota(jnp.int32, (s, _E), 1)
    m1 = jnp.max(scores, axis=1, keepdims=True)
    i1 = jnp.min(jnp.where(scores == m1, iota_e, _E), axis=1, keepdims=True)
    masked = jnp.where(iota_e == i1, -jnp.inf, scores)
    m2 = jnp.max(masked, axis=1, keepdims=True)
    i2 = jnp.min(jnp.where(masked == m2, iota_e, _E), axis=1, keepdims=True)
    w_ref[...] = jnp.concatenate([m1, m2], axis=1)

    oh = ((iota_e == i1) | (iota_e == i2)).astype(jnp.float32)
    cb = 512
    r = lax.broadcasted_iota(jnp.int32, (cb, cb), 0)
    c = lax.broadcasted_iota(jnp.int32, (cb, cb), 1)
    ltri = (r > c).astype(jnp.float32)
    parts = []
    carry = jnp.zeros((1, _E), jnp.float32)
    for b in range(s // cb):
        ohb = oh[b * cb:(b + 1) * cb, :]
        parts.append(jnp.dot(ltri, ohb, preferred_element_type=jnp.float32)
                     + carry)
        carry = carry + jnp.sum(ohb, axis=0, keepdims=True)
    rank = jnp.concatenate(parts, axis=0)
    counts = carry
    ntiles = jnp.floor((counts + (_BT - 1)) * (1.0 / _BT))
    er = lax.broadcasted_iota(jnp.int32, (_E, _E), 0)
    ec = lax.broadcasted_iota(jnp.int32, (_E, _E), 1)
    utri = (er <= ec).astype(jnp.float32)
    tile_end = jnp.dot(ntiles, utri, preferred_element_type=jnp.float32)
    pad_off = (tile_end - ntiles) * _BT

    sel1 = (iota_e == i1).astype(jnp.float32)
    sel2 = (iota_e == i2).astype(jnp.float32)
    p1 = jnp.sum(sel1 * (pad_off + rank), axis=1, keepdims=True)
    p2 = jnp.sum(sel2 * (pad_off + rank), axis=1, keepdims=True)
    p_ref[...] = jnp.concatenate([p1, p2], axis=1).astype(jnp.int32)

    tq = lax.broadcasted_iota(jnp.int32, (_TMAX, 1), 0).astype(jnp.float32)
    te_raw = jnp.sum((tile_end <= tq).astype(jnp.int32), axis=1,
                     keepdims=True)
    total = jnp.sum(jnp.where(
        lax.broadcasted_iota(jnp.int32, (1, _E), 1) == _E - 1, tile_end,
        0.0), axis=1, keepdims=True)
    valid = tq < total
    last_e = jnp.sum(jnp.where(tq == total - 1.0, te_raw, 0), axis=0,
                     keepdims=True)
    te = jnp.where(valid, jnp.minimum(te_raw, _E - 1), last_e)
    te_ref[...] = te.astype(jnp.int32)
    tv_ref[...] = valid.astype(jnp.int32)


def _router(x, gate_w):
    s = x.shape[0]
    return pl.pallas_call(
        _router_body,
        out_shape=[jax.ShapeDtypeStruct((s, _K), jnp.float32),
                   jax.ShapeDtypeStruct((s, _K), jnp.int32),
                   jax.ShapeDtypeStruct((_TMAX, 1), jnp.int32),
                   jax.ShapeDtypeStruct((_TMAX, 1), jnp.int32)],
    )(x, gate_w)


@functools.lru_cache(maxsize=None)
def _sc_dispatch_fn(n_idx, n_rows, d, chunk):
    per_w = n_idx // _NW
    n_chunks = per_w // chunk
    mesh = plsc.VectorSubcoreMesh(
        core_axis_name="c", subcore_axis_name="s",
        num_cores=_NC, num_subcores=_NS)

    @functools.partial(
        pl.kernel,
        out_type=jax.ShapeDtypeStruct((_NPAD, d), jnp.float32),
        mesh=mesh,
        scratch_types=[
            pltpu.VMEM((chunk,), jnp.int32),
            pltpu.VMEM((chunk,), jnp.int32),
            pltpu.VMEM((chunk, d), jnp.float32),
            pltpu.SemaphoreType.DMA,
            pltpu.SemaphoreType.DMA,
        ],
    )
    def k(table_hbm, tok_hbm, ppos_hbm, out_hbm, tok_v, ppos_v, rows_v,
          sem_g, sem_s):
        wid = lax.axis_index("c") * _NS + lax.axis_index("s")
        base = wid * per_w
        for c in range(n_chunks):
            off = base + c * chunk
            pltpu.sync_copy(tok_hbm.at[pl.ds(off, chunk)], tok_v)
            pltpu.sync_copy(ppos_hbm.at[pl.ds(off, chunk)], ppos_v)
            pltpu.async_copy(table_hbm.at[tok_v], rows_v, sem_g).wait()
            pltpu.async_copy(rows_v, out_hbm.at[ppos_v], sem_s).wait()

    return k


def _sc_dispatch(table, ppos_flat, chunk=64):
    tok = jnp.arange(ppos_flat.shape[0], dtype=jnp.int32) // _K
    return _sc_dispatch_fn(ppos_flat.shape[0], table.shape[0],
                           table.shape[1], chunk)(table, tok, ppos_flat)


@functools.lru_cache(maxsize=None)
def _sc_gather_fn(n_idx, n_rows, d, chunk):
    per_w = n_idx // _NW
    n_chunks = per_w // chunk
    mesh = plsc.VectorSubcoreMesh(
        core_axis_name="c", subcore_axis_name="s",
        num_cores=_NC, num_subcores=_NS)

    @functools.partial(
        pl.kernel,
        out_type=jax.ShapeDtypeStruct((n_idx, d), jnp.float32),
        mesh=mesh,
        scratch_types=[
            pltpu.VMEM((chunk,), jnp.int32),
            pltpu.VMEM((chunk, d), jnp.float32),
            pltpu.SemaphoreType.DMA,
        ],
    )
    def k(table_hbm, idx_hbm, out_hbm, idx_v, rows_v, sem):
        wid = lax.axis_index("c") * _NS + lax.axis_index("s")
        base = wid * per_w
        for c in range(n_chunks):
            off = base + c * chunk
            pltpu.sync_copy(idx_hbm.at[pl.ds(off, chunk)], idx_v)
            pltpu.async_copy(table_hbm.at[idx_v], rows_v, sem).wait()
            pltpu.sync_copy(rows_v, out_hbm.at[pl.ds(off, chunk)])

    return k


def _sc_gather(table, idx, chunk=64):
    return _sc_gather_fn(idx.shape[0], table.shape[0], table.shape[1],
                         chunk)(table, idx)


def _expert_body(te_ref, tv_ref, xs_ref, w1_ref, w2_ref, out_ref):
    t = pl.program_id(0)

    @pl.when(tv_ref[t] > 0)
    def _():
        h = jnp.dot(xs_ref[...], w1_ref[0].T,
                    preferred_element_type=jnp.float32)
        g = h[:, :_I]
        u = h[:, _I:]
        act = g * jax.nn.sigmoid(g) * u
        out_ref[...] = jnp.dot(act, w2_ref[0].T,
                               preferred_element_type=jnp.float32)


def _expert_mlp(tile_expert, tile_valid, xs, w1, w2):
    grid_spec = pltpu.PrefetchScalarGridSpec(
        num_scalar_prefetch=2,
        grid=(_TMAX,),
        in_specs=[
            pl.BlockSpec((_BT, _D),
                         lambda t, te, tv: (jnp.where(tv[t] > 0, t,
                                                      _TMAX - 1), 0)),
            pl.BlockSpec((1, 2 * _I, _D), lambda t, te, tv: (te[t], 0, 0)),
            pl.BlockSpec((1, _D, _I), lambda t, te, tv: (te[t], 0, 0)),
        ],
        out_specs=pl.BlockSpec((_BT, _D),
                               lambda t, te, tv: (jnp.where(tv[t] > 0, t,
                                                            _TMAX - 1), 0)),
    )
    return pl.pallas_call(
        _expert_body,
        grid_spec=grid_spec,
        out_shape=jax.ShapeDtypeStruct((_NPAD, _D), jnp.float32),
        compiler_params=pltpu.CompilerParams(
            dimension_semantics=("arbitrary",)),
    )(tile_expert, tile_valid, xs, w1, w2)


def _shared_body(x_ref, sgu_ref, sd_ref, o_ref):
    h = jnp.dot(x_ref[...], sgu_ref[...].T, preferred_element_type=jnp.float32)
    g = h[:, :_IS]
    u = h[:, _IS:]
    act = g * jax.nn.sigmoid(g) * u
    o_ref[...] = jnp.dot(act, sd_ref[...].T, preferred_element_type=jnp.float32)


def _shared_mlp(x, sgu, sd):
    s = x.shape[0]
    sb = 256
    return pl.pallas_call(
        _shared_body,
        grid=(s // sb,),
        in_specs=[
            pl.BlockSpec((sb, _D), lambda i: (i, 0)),
            pl.BlockSpec((2 * _IS, _D), lambda i: (0, 0)),
            pl.BlockSpec((_D, _IS), lambda i: (0, 0)),
        ],
        out_specs=pl.BlockSpec((sb, _D), lambda i: (i, 0)),
        out_shape=jax.ShapeDtypeStruct((s, _D), jnp.float32),
    )(x, sgu, sd)


def _combine_body(sh_ref, g0_ref, g1_ref, tw_ref, o_ref):
    moe = tw_ref[:, 0:1] * g0_ref[...] + tw_ref[:, 1:2] * g1_ref[...]
    o_ref[...] = (sh_ref[...] + _K * moe) / (_K + 1.0)


def _combine(shared, g, topk_w):
    s = shared.shape[0]
    sb = 256
    nb = s // sb
    return pl.pallas_call(
        _combine_body,
        grid=(nb,),
        in_specs=[
            pl.BlockSpec((sb, _D), lambda i: (i, 0)),
            pl.BlockSpec((sb, _D), lambda i: (i, 0)),
            pl.BlockSpec((sb, _D), lambda i, _nb=nb: (i + _nb, 0)),
            pl.BlockSpec((sb, _K), lambda i: (i, 0)),
        ],
        out_specs=pl.BlockSpec((sb, _D), lambda i: (i, 0)),
        out_shape=jax.ShapeDtypeStruct((s, _D), jnp.float32),
    )(shared, g, g, topk_w)


def _impl(hidden_states, gate_w, w1, w2, shared_gate_up, shared_down):
    orig_shape = hidden_states.shape
    x = hidden_states.reshape(-1, orig_shape[-1])
    s = x.shape[0]

    shared = _shared_mlp(x, shared_gate_up, shared_down)
    topk_w, ppos, tile_expert, tile_valid = _router(x, gate_w)
    ppos_flat = ppos.reshape(-1)
    te = tile_expert.reshape(-1)
    tv = tile_valid.reshape(-1)

    xs = _sc_dispatch(x, ppos_flat)
    expanded = _expert_mlp(te, tv, xs, w1, w2)
    pq = jnp.concatenate([ppos[:, 0], ppos[:, 1]])
    g = _sc_gather(expanded, pq)
    final = _combine(shared, g, topk_w)
    return final.reshape(orig_shape)


def kernel(hidden_states, gate_w, w1, w2, shared_gate_up, shared_down):
    return _impl(hidden_states, gate_w, w1, w2, shared_gate_up, shared_down)

# --- scband reference (transcript-rebuilt; emitter-appended) ---
"""Pipeline reference for scband-olmoe2-mo-e-48473000903126 (READ-ONLY COPY).

The authoritative reference and input builder live on the scoring server;
editing this copy changes nothing except your own understanding.
"""

import jax, jax.numpy as jnp
import numpy as np

E = 64
TOPK = 2
D = 1024
I = 512
IS = 1024
B = 1
S = 2048


def _silu_and_mul(x):
    d = x.shape[-1] // 2
    return jax.nn.silu(x[..., :d]) * x[..., d:]


def setup_inputs(seed: int = 0) -> dict:
    key = jax.random.key(seed)
    ks = jax.random.split(key, 6)
    hidden_states = jax.random.normal(ks[0], (B, S, D), dtype=jnp.float32)
    gate_w = jax.random.normal(ks[1], (E, D), dtype=jnp.float32) * (D ** -0.5)
    w1 = jax.random.normal(ks[2], (E, 2 * I, D), dtype=jnp.float32) * (D ** -0.5)
    w2 = jax.random.normal(ks[3], (E, D, I), dtype=jnp.float32) * (I ** -0.5)
    shared_gate_up = jax.random.normal(ks[4], (2 * IS, D), dtype=jnp.float32) * (D ** -0.5)
    shared_down = jax.random.normal(ks[5], (D, IS), dtype=jnp.float32) * (IS ** -0.5)
    return {
        'hidden_states': hidden_states,
        'gate_w': gate_w,
        'w1': w1,
        'w2': w2,
        'shared_gate_up': shared_gate_up,
        'shared_down': shared_down,
    }


def reference(hidden_states, gate_w, w1, w2, shared_gate_up, shared_down):
    orig_shape = hidden_states.shape
    hidden_dim = orig_shape[-1]
    x = hidden_states.reshape(-1, hidden_dim)
    # shared MLP: SiluAndMul(gate_up_proj(x)) -> down_proj
    shared = _silu_and_mul(x @ shared_gate_up.T) @ shared_down.T
    # router gate (ReplicatedLinear, no bias)
    router_logits = x @ gate_w.T
    # grouped_topk with num_expert_group=1, topk_group=1, sigmoid scoring,
    # renormalize=False  ->  plain top-k over sigmoid scores
    scores = jax.nn.sigmoid(router_logits)
    topk_w, topk_ids = jax.lax.top_k(scores, TOPK)
    # experts receive detached hidden states (hidden_states.detach().clone())
    xe = jax.lax.stop_gradient(x)
    out = jnp.zeros_like(x)
    for e in range(E):
        sel = topk_ids == e
        chosen = jnp.any(sel, axis=-1)
        we = jnp.sum(jnp.where(sel, topk_w, 0.0), axis=-1)
        h = _silu_and_mul(xe @ w1[e].T) @ w2[e].T
        out = jnp.where(chosen[:, None], out + we[:, None] * h, out)
    final = (shared + TOPK * out) / (TOPK + 1)
    return final.reshape(orig_shape)

if __name__ == "__main__":
    import jax
    _d = setup_inputs()
    print(jax.jit(kernel)(*tuple(_d.values())))

</pallas_src>

<mosaic_0001>
#map = affine_map<(d0, d1) -> (0, 0)>
#map1 = affine_map<(d0, d1) -> (0)>
module attributes {stable_mosaic.version = 14 : i64} {
  func.func @k(%arg0: i32, %arg1: i32, %arg2: memref<2048x1024xf32, #tpu.memory_space<hbm>>, %arg3: memref<4096xi32, #tpu.memory_space<hbm>>, %arg4: memref<4096xi32, #tpu.memory_space<hbm>>, %arg5: memref<8192x1024xf32, #tpu.memory_space<hbm>>, %arg6: memref<64xi32, #tpu.memory_space<vmem>>, %arg7: memref<64xi32, #tpu.memory_space<vmem>>, %arg8: memref<64x1024xf32, #tpu.memory_space<vmem>>, %arg9: memref<!tpu.dma_semaphore, #tpu.memory_space<semaphore_mem>>, %arg10: memref<!tpu.dma_semaphore, #tpu.memory_space<semaphore_mem>>) attributes {dimension_semantics = [#tpu.dimension_semantics<core_parallel>, #tpu.dimension_semantics<subcore_parallel>], iteration_bounds = array<i64: 2, 16>, scalar_prefetch = 0 : i64, scratch_operands = 5 : i64, tpu.core_type = #tpu.core_type<sc_vector_subcore>, window_params = [{transform_indices = #map}, {transform_indices = #map1}, {transform_indices = #map1}, {transform_indices = #map}]} {
    %mul3A = arith.constant 16 : i32
    %mul3A_0 = arith.muli %arg0, %mul3A : i32
    %add3A = arith.addi %mul3A_0, %arg1 : i32
    %mul3A_1 = arith.constant 128 : i32
    %mul3A_2 = arith.muli %add3A, %mul3A_1 : i32
    %add3A_3 = arith.constant 0 : i32
    %add3A_4 = arith.addi %mul3A_2, %add3A_3 : i32
    "tpu.region"() ({
      %run_scoped3A = tpu.sem_alloc : memref<!tpu.dma_semaphore, #tpu.memory_space<semaphore_mem>>
      %dma_start3A_29 = tpu.memref_slice %arg3[%add3A_4] : memref<4096xi32, #tpu.memory_space<hbm>> -> memref<64xi32, #tpu.memory_space<hbm>>
      %dma_start3A_30 = tpu.memref_slice %arg3[%add3A_4] : memref<4096xi32, #tpu.memory_space<hbm>> -> memref<64xi32, #tpu.memory_space<hbm>>
      tpu.enqueue_dma source(%dma_start3A_30 : memref<64xi32, #tpu.memory_space<hbm>>) target(%arg6 : memref<64xi32, #tpu.memory_space<vmem>>) target_semaphore(%run_scoped3A : memref<!tpu.dma_semaphore, #tpu.memory_space<semaphore_mem>>)
      %dma_wait3A_31 = tpu.memref_slice %arg3[%add3A_4] : memref<4096xi32, #tpu.memory_space<hbm>> -> memref<64xi32, #tpu.memory_space<hbm>>
      %dma_wait3A_32 = tpu.memref_slice %arg3[%add3A_4] : memref<4096xi32, #tpu.memory_space<hbm>> -> memref<64xi32, #tpu.memory_space<hbm>>
      tpu.wait_dma2 semaphore(%run_scoped3A : memref<!tpu.dma_semaphore, #tpu.memory_space<semaphore_mem>>) src(%dma_wait3A_32 : memref<64xi32, #tpu.memory_space<hbm>>) dst(%arg6 : memref<64xi32, #tpu.memory_space<vmem>>)
      tpu.yield
    }) : () -> ()
    "tpu.region"() ({
      %run_scoped3A = tpu.sem_alloc : memref<!tpu.dma_semaphore, #tpu.memory_space<semaphore_mem>>
      %dma_start3A_29 = tpu.memref_slice %arg4[%add3A_4] : memref<4096xi32, #tpu.memory_space<hbm>> -> memref<64xi32, #tpu.memory_space<hbm>>
      %dma_start3A_30 = tpu.memref_slice %arg4[%add3A_4] : memref<4096xi32, #tpu.memory_space<hbm>> -> memref<64xi32, #tpu.memory_space<hbm>>
      tpu.enqueue_dma source(%dma_start3A_30 : memref<64xi32, #tpu.memory_space<hbm>>) target(%arg7 : memref<64xi32, #tpu.memory_space<vmem>>) target_semaphore(%run_scoped3A : memref<!tpu.dma_semaphore, #tpu.memory_space<semaphore_mem>>)
      %dma_wait3A_31 = tpu.memref_slice %arg4[%add3A_4] : memref<4096xi32, #tpu.memory_space<hbm>> -> memref<64xi32, #tpu.memory_space<hbm>>
      %dma_wait3A_32 = tpu.memref_slice %arg4[%add3A_4] : memref<4096xi32, #tpu.memory_space<hbm>> -> memref<64xi32, #tpu.memory_space<hbm>>
      tpu.wait_dma2 semaphore(%run_scoped3A : memref<!tpu.dma_semaphore, #tpu.memory_space<semaphore_mem>>) src(%dma_wait3A_32 : memref<64xi32, #tpu.memory_space<hbm>>) dst(%arg7 : memref<64xi32, #tpu.memory_space<vmem>>)
      tpu.yield
    }) : () -> ()
    %dma_start3A = arith.constant 0 : i32
    %dma_start3A_5 = arith.constant 0 : i32
    %dma_start3A_6 = tpu.memref_slice %arg2[%dma_start3A, %dma_start3A_5] : memref<2048x1024xf32, #tpu.memory_space<hbm>> -> memref<2048x1024xf32, #tpu.memory_space<hbm>>
    tpu.enqueue_indirect_dma source(%dma_start3A_6 : memref<2048x1024xf32, #tpu.memory_space<hbm>>) target(%arg8 : memref<64x1024xf32, #tpu.memory_space<vmem>>) offsets(%arg6 : memref<64xi32, #tpu.memory_space<vmem>>) semaphore(%arg9 : memref<!tpu.dma_semaphore, #tpu.memory_space<semaphore_mem>>)
    %dma_wait3A = arith.constant 0 : i32
    %dma_wait3A_7 = arith.constant 0 : i32
    %dma_wait3A_8 = tpu.memref_slice %arg2[%dma_wait3A, %dma_wait3A_7] : memref<2048x1024xf32, #tpu.memory_space<hbm>> -> memref<2048x1024xf32, #tpu.memory_space<hbm>>
    tpu.wait_indirect_dma semaphore(%arg9 : memref<!tpu.dma_semaphore, #tpu.memory_space<semaphore_mem>>) src(%dma_wait3A_8 : memref<2048x1024xf32, #tpu.memory_space<hbm>>) dst(%arg8 : memref<64x1024xf32, #tpu.memory_space<vmem>>)
    %dma_start3A_9 = arith.constant 0 : i32
    %dma_start3A_10 = arith.constant 0 : i32
    %dma_start3A_11 = tpu.memref_slice %arg5[%dma_start3A_9, %dma_start3A_10] : memref<8192x1024xf32, #tpu.memory_space<hbm>> -> memref<8192x1024xf32, #tpu.memory_space<hbm>>
    tpu.enqueue_indirect_dma source(%arg8 : memref<64x1024xf32, #tpu.memory_space<vmem>>) target(%dma_start3A_11 : memref<8192x1024xf32, #tpu.memory_space<hbm>>) offsets(%arg7 : memref<64xi32, #tpu.memory_space<vmem>>) semaphore(%arg10 : memref<!tpu.dma_semaphore, #tpu.memory_space<semaphore_mem>>)
    %dma_wait3A_12 = arith.constant 0 : i32
    %dma_wait3A_13 = arith.constant 0 : i32
    %dma_wait3A_14 = tpu.memref_slice %arg5[%dma_wait3A_12, %dma_wait3A_13] : memref<8192x1024xf32, #tpu.memory_space<hbm>> -> memref<8192x1024xf32, #tpu.memory_space<hbm>>
    tpu.wait_indirect_dma semaphore(%arg10 : memref<!tpu.dma_semaphore, #tpu.memory_space<semaphore_mem>>) src(%arg8 : memref<64x1024xf32, #tpu.memory_space<vmem>>) dst(%dma_wait3A_14 : memref<8192x1024xf32, #tpu.memory_space<hbm>>)
    %add3A_15 = arith.constant 64 : i32
    %add3A_16 = arith.addi %mul3A_2, %add3A_15 : i32
    "tpu.region"() ({
      %run_scoped3A = tpu.sem_alloc : memref<!tpu.dma_semaphore, #tpu.memory_space<semaphore_mem>>
      %dma_start3A_29 = tpu.memref_slice %arg3[%add3A_16] : memref<4096xi32, #tpu.memory_space<hbm>> -> memref<64xi32, #tpu.memory_space<hbm>>
      %dma_start3A_30 = tpu.memref_slice %arg3[%add3A_16] : memref<4096xi32, #tpu.memory_space<hbm>> -> memref<64xi32, #tpu.memory_space<hbm>>
      tpu.enqueue_dma source(%dma_start3A_30 : memref<64xi32, #tpu.memory_space<hbm>>) target(%arg6 : memref<64xi32, #tpu.memory_space<vmem>>) target_semaphore(%run_scoped3A : memref<!tpu.dma_semaphore, #tpu.memory_space<semaphore_mem>>)
      %dma_wait3A_31 = tpu.memref_slice %arg3[%add3A_16] : memref<4096xi32, #tpu.memory_space<hbm>> -> memref<64xi32, #tpu.memory_space<hbm>>
      %dma_wait3A_32 = tpu.memref_slice %arg3[%add3A_16] : memref<4096xi32, #tpu.memory_space<hbm>> -> memref<64xi32, #tpu.memory_space<hbm>>
      tpu.wait_dma2 semaphore(%run_scoped3A : memref<!tpu.dma_semaphore, #tpu.memory_space<semaphore_mem>>) src(%dma_wait3A_32 : memref<64xi32, #tpu.memory_space<hbm>>) dst(%arg6 : memref<64xi32, #tpu.memory_space<vmem>>)
      tpu.yield
    }) : () -> ()
    "tpu.region"() ({
      %run_scoped3A = tpu.sem_alloc : memref<!tpu.dma_semaphore, #tpu.memory_space<semaphore_mem>>
      %dma_start3A_29 = tpu.memref_slice %arg4[%add3A_16] : memref<4096xi32, #tpu.memory_space<hbm>> -> memref<64xi32, #tpu.memory_space<hbm>>
      %dma_start3A_30 = tpu.memref_slice %arg4[%add3A_16] : memref<4096xi32, #tpu.memory_space<hbm>> -> memref<64xi32, #tpu.memory_space<hbm>>
      tpu.enqueue_dma source(%dma_start3A_30 : memref<64xi32, #tpu.memory_space<hbm>>) target(%arg7 : memref<64xi32, #tpu.memory_space<vmem>>) target_semaphore(%run_scoped3A : memref<!tpu.dma_semaphore, #tpu.memory_space<semaphore_mem>>)
      %dma_wait3A_31 = tpu.memref_slice %arg4[%add3A_16] : memref<4096xi32, #tpu.memory_space<hbm>> -> memref<64xi32, #tpu.memory_space<hbm>>
      %dma_wait3A_32 = tpu.memref_slice %arg4[%add3A_16] : memref<4096xi32, #tpu.memory_space<hbm>> -> memref<64xi32, #tpu.memory_space<hbm>>
      tpu.wait_dma2 semaphore(%run_scoped3A : memref<!tpu.dma_semaphore, #tpu.memory_space<semaphore_mem>>) src(%dma_wait3A_32 : memref<64xi32, #tpu.memory_space<hbm>>) dst(%arg7 : memref<64xi32, #tpu.memory_space<vmem>>)
      tpu.yield
    }) : () -> ()
    %dma_start3A_17 = arith.constant 0 : i32
    %dma_start3A_18 = arith.constant 0 : i32
    %dma_start3A_19 = tpu.memref_slice %arg2[%dma_start3A_17, %dma_start3A_18] : memref<2048x1024xf32, #tpu.memory_space<hbm>> -> memref<2048x1024xf32, #tpu.memory_space<hbm>>
    tpu.enqueue_indirect_dma source(%dma_start3A_19 : memref<2048x1024xf32, #tpu.memory_space<hbm>>) target(%arg8 : memref<64x1024xf32, #tpu.memory_space<vmem>>) offsets(%arg6 : memref<64xi32, #tpu.memory_space<vmem>>) semaphore(%arg9 : memref<!tpu.dma_semaphore, #tpu.memory_space<semaphore_mem>>)
    %dma_wait3A_20 = arith.constant 0 : i32
    %dma_wait3A_21 = arith.constant 0 : i32
    %dma_wait3A_22 = tpu.memref_slice %arg2[%dma_wait3A_20, %dma_wait3A_21] : memref<2048x1024xf32, #tpu.memory_space<hbm>> -> memref<2048x1024xf32, #tpu.memory_space<hbm>>
    tpu.wait_indirect_dma semaphore(%arg9 : memref<!tpu.dma_semaphore, #tpu.memory_space<semaphore_mem>>) src(%dma_wait3A_22 : memref<2048x1024xf32, #tpu.memory_space<hbm>>) dst(%arg8 : memref<64x1024xf32, #tpu.memory_space<vmem>>)
    %dma_start3A_23 = arith.constant 0 : i32
    %dma_start3A_24 = arith.constant 0 : i32
    %dma_start3A_25 = tpu.memref_slice %arg5[%dma_start3A_23, %dma_start3A_24] : memref<8192x1024xf32, #tpu.memory_space<hbm>> -> memref<8192x1024xf32, #tpu.memory_space<hbm>>
    tpu.enqueue_indirect_dma source(%arg8 : memref<64x1024xf32, #tpu.memory_space<vmem>>) target(%dma_start3A_25 : memref<8192x1024xf32, #tpu.memory_space<hbm>>) offsets(%arg7 : memref<64xi32, #tpu.memory_space<vmem>>) semaphore(%arg10 : memref<!tpu.dma_semaphore, #tpu.memory_space<semaphore_mem>>)
    %dma_wait3A_26 = arith.constant 0 : i32
    %dma_wait3A_27 = arith.constant 0 : i32
    %dma_wait3A_28 = tpu.memref_slice %arg5[%dma_wait3A_26, %dma_wait3A_27] : memref<8192x1024xf32, #tpu.memory_space<hbm>> -> memref<8192x1024xf32, #tpu.memory_space<hbm>>
    tpu.wait_indirect_dma semaphore(%arg10 : memref<!tpu.dma_semaphore, #tpu.memory_space<semaphore_mem>>) src(%arg8 : memref<64x1024xf32, #tpu.memory_space<vmem>>) dst(%dma_wait3A_28 : memref<8192x1024xf32, #tpu.memory_space<hbm>>)
    return
  }
}

#map = affine_map<(d0, d1) -> (0, 0)>
#map1 = affine_map<(d0, d1) -> (0)>
module attributes {stable_mosaic.version = 14 : i64} {
  func.func @k(%arg0: i32, %arg1: i32, %arg2: memref<8192x1024xf32, #tpu.memory_space<hbm>>, %arg3: memref<4096xi32, #tpu.memory_space<hbm>>, %arg4: memref<4096x1024xf32, #tpu.memory_space<hbm>>, %arg5: memref<64xi32, #tpu.memory_space<vmem>>, %arg6: memref<64x1024xf32, #tpu.memory_space<vmem>>, %arg7: memref<!tpu.dma_semaphore, #tpu.memory_space<semaphore_mem>>) attributes {dimension_semantics = [#tpu.dimension_semantics<core_parallel>, #tpu.dimension_semantics<subcore_parallel>], iteration_bounds = array<i64: 2, 16>, scalar_prefetch = 0 : i64, scratch_operands = 3 : i64, tpu.core_type = #tpu.core_type<sc_vector_subcore>, window_params = [{transform_indices = #map}, {transform_indices = #map1}, {transform_indices = #map}]} {
    %mul3A = arith.constant 16 : i32
    %mul3A_0 = arith.muli %arg0, %mul3A : i32
    %add3A = arith.addi %mul3A_0, %arg1 : i32
    %mul3A_1 = arith.constant 128 : i32
    %mul3A_2 = arith.muli %add3A, %mul3A_1 : i32
    %add3A_3 = arith.constant 0 : i32
    %add3A_4 = arith.addi %mul3A_2, %add3A_3 : i32
    "tpu.region"() ({
      %run_scoped3A = tpu.sem_alloc : memref<!tpu.dma_semaphore, #tpu.memory_space<semaphore_mem>>
      %dma_start3A_17 = tpu.memref_slice %arg3[%add3A_4] : memref<4096xi32, #tpu.memory_space<hbm>> -> memref<64xi32, #tpu.memory_space<hbm>>
      %dma_start3A_18 = tpu.memref_slice %arg3[%add3A_4] : memref<4096xi32, #tpu.memory_space<hbm>> -> memref<64xi32, #tpu.memory_space<hbm>>
      tpu.enqueue_dma source(%dma_start3A_18 : memref<64xi32, #tpu.memory_space<hbm>>) target(%arg5 : memref<64xi32, #tpu.memory_space<vmem>>) target_semaphore(%run_scoped3A : memref<!tpu.dma_semaphore, #tpu.memory_space<semaphore_mem>>)
      %dma_wait3A_19 = tpu.memref_slice %arg3[%add3A_4] : memref<4096xi32, #tpu.memory_space<hbm>> -> memref<64xi32, #tpu.memory_space<hbm>>
      %dma_wait3A_20 = tpu.memref_slice %arg3[%add3A_4] : memref<4096xi32, #tpu.memory_space<hbm>> -> memref<64xi32, #tpu.memory_space<hbm>>
      tpu.wait_dma2 semaphore(%run_scoped3A : memref<!tpu.dma_semaphore, #tpu.memory_space<semaphore_mem>>) src(%dma_wait3A_20 : memref<64xi32, #tpu.memory_space<hbm>>) dst(%arg5 : memref<64xi32, #tpu.memory_space<vmem>>)
      tpu.yield
    }) : () -> ()
    %dma_start3A = arith.constant 0 : i32
    %dma_start3A_5 = arith.constant 0 : i32
    %dma_start3A_6 = tpu.memref_slice %arg2[%dma_start3A, %dma_start3A_5] : memref<8192x1024xf32, #tpu.memory_space<hbm>> -> memref<8192x1024xf32, #tpu.memory_space<hbm>>
    tpu.enqueue_indirect_dma source(%dma_start3A_6 : memref<8192x1024xf32, #tpu.memory_space<hbm>>) target(%arg6 : memref<64x1024xf32, #tpu.memory_space<vmem>>) offsets(%arg5 : memref<64xi32, #tpu.memory_space<vmem>>) semaphore(%arg7 : memref<!tpu.dma_semaphore, #tpu.memory_space<semaphore_mem>>)
    %dma_wait3A = arith.constant 0 : i32
    %dma_wait3A_7 = arith.constant 0 : i32
    %dma_wait3A_8 = tpu.memref_slice %arg2[%dma_wait3A, %dma_wait3A_7] : memref<8192x1024xf32, #tpu.memory_space<hbm>> -> memref<8192x1024xf32, #tpu.memory_space<hbm>>
    tpu.wait_indirect_dma semaphore(%arg7 : memref<!tpu.dma_semaphore, #tpu.memory_space<semaphore_mem>>) src(%dma_wait3A_8 : memref<8192x1024xf32, #tpu.memory_space<hbm>>) dst(%arg6 : memref<64x1024xf32, #tpu.memory_space<vmem>>)
    "tpu.region"() ({
      %run_scoped3A = tpu.sem_alloc : memref<!tpu.dma_semaphore, #tpu.memory_space<semaphore_mem>>
      %dma_start3A_17 = arith.constant 0 : i32
      %dma_start3A_18 = tpu.memref_slice %arg4[%add3A_4, %dma_start3A_17] : memref<4096x1024xf32, #tpu.memory_space<hbm>> -> memref<64x1024xf32, #tpu.memory_space<hbm>>
      %dma_start3A_19 = arith.constant 0 : i32
      %dma_start3A_20 = tpu.memref_slice %arg4[%add3A_4, %dma_start3A_19] : memref<4096x1024xf32, #tpu.memory_space<hbm>> -> memref<64x1024xf32, #tpu.memory_space<hbm>>
      tpu.enqueue_dma source(%arg6 : memref<64x1024xf32, #tpu.memory_space<vmem>>) target(%dma_start3A_20 : memref<64x1024xf32, #tpu.memory_space<hbm>>) target_semaphore(%run_scoped3A : memref<!tpu.dma_semaphore, #tpu.memory_space<semaphore_mem>>)
      %dma_wait3A_21 = arith.constant 0 : i32
      %dma_wait3A_22 = tpu.memref_slice %arg4[%add3A_4, %dma_wait3A_21] : memref<4096x1024xf32, #tpu.memory_space<hbm>> -> memref<64x1024xf32, #tpu.memory_space<hbm>>
      %dma_wait3A_23 = arith.constant 0 : i32
      %dma_wait3A_24 = tpu.memref_slice %arg4[%add3A_4, %dma_wait3A_23] : memref<4096x1024xf32, #tpu.memory_space<hbm>> -> memref<64x1024xf32, #tpu.memory_space<hbm>>
      tpu.wait_dma2 semaphore(%run_scoped3A : memref<!tpu.dma_semaphore, #tpu.memory_space<semaphore_mem>>) src(%arg6 : memref<64x1024xf32, #tpu.memory_space<vmem>>) dst(%dma_wait3A_24 : memref<64x1024xf32, #tpu.memory_space<hbm>>)
      tpu.yield
    }) : () -> ()
    %add3A_9 = arith.constant 64 : i32
    %add3A_10 = arith.addi %mul3A_2, %add3A_9 : i32
    "tpu.region"() ({
      %run_scoped3A = tpu.sem_alloc : memref<!tpu.dma_semaphore, #tpu.memory_space<semaphore_mem>>
      %dma_start3A_17 = tpu.memref_slice %arg3[%add3A_10] : memref<4096xi32, #tpu.memory_space<hbm>> -> memref<64xi32, #tpu.memory_space<hbm>>
      %dma_start3A_18 = tpu.memref_slice %arg3[%add3A_10] : memref<4096xi32, #tpu.memory_space<hbm>> -> memref<64xi32, #tpu.memory_space<hbm>>
      tpu.enqueue_dma source(%dma_start3A_18 : memref<64xi32, #tpu.memory_space<hbm>>) target(%arg5 : memref<64xi32, #tpu.memory_space<vmem>>) target_semaphore(%run_scoped3A : memref<!tpu.dma_semaphore, #tpu.memory_space<semaphore_mem>>)
      %dma_wait3A_19 = tpu.memref_slice %arg3[%add3A_10] : memref<4096xi32, #tpu.memory_space<hbm>> -> memref<64xi32, #tpu.memory_space<hbm>>
      %dma_wait3A_20 = tpu.memref_slice %arg3[%add3A_10] : memref<4096xi32, #tpu.memory_space<hbm>> -> memref<64xi32, #tpu.memory_space<hbm>>
      tpu.wait_dma2 semaphore(%run_scoped3A : memref<!tpu.dma_semaphore, #tpu.memory_space<semaphore_mem>>) src(%dma_wait3A_20 : memref<64xi32, #tpu.memory_space<hbm>>) dst(%arg5 : memref<64xi32, #tpu.memory_space<vmem>>)
      tpu.yield
    }) : () -> ()
    %dma_start3A_11 = arith.constant 0 : i32
    %dma_start3A_12 = arith.constant 0 : i32
    %dma_start3A_13 = tpu.memref_slice %arg2[%dma_start3A_11, %dma_start3A_12] : memref<8192x1024xf32, #tpu.memory_space<hbm>> -> memref<8192x1024xf32, #tpu.memory_space<hbm>>
    tpu.enqueue_indirect_dma source(%dma_start3A_13 : memref<8192x1024xf32, #tpu.memory_space<hbm>>) target(%arg6 : memref<64x1024xf32, #tpu.memory_space<vmem>>) offsets(%arg5 : memref<64xi32, #tpu.memory_space<vmem>>) semaphore(%arg7 : memref<!tpu.dma_semaphore, #tpu.memory_space<semaphore_mem>>)
    %dma_wait3A_14 = arith.constant 0 : i32
    %dma_wait3A_15 = arith.constant 0 : i32
    %dma_wait3A_16 = tpu.memref_slice %arg2[%dma_wait3A_14, %dma_wait3A_15] : memref<8192x1024xf32, #tpu.memory_space<hbm>> -> memref<8192x1024xf32, #tpu.memory_space<hbm>>
    tpu.wait_indirect_dma semaphore(%arg7 : memref<!tpu.dma_semaphore, #tpu.memory_space<semaphore_mem>>) src(%dma_wait3A_16 : memref<8192x1024xf32, #tpu.memory_space<hbm>>) dst(%arg6 : memref<64x1024xf32, #tpu.memory_space<vmem>>)
    "tpu.region"() ({
      %run_scoped3A = tpu.sem_alloc : memref<!tpu.dma_semaphore, #tpu.memory_space<semaphore_mem>>
      %dma_start3A_17 = arith.constant 0 : i32
      %dma_start3A_18 = tpu.memref_slice %arg4[%add3A_10, %dma_start3A_17] : memref<4096x1024xf32, #tpu.memory_space<hbm>> -> memref<64x1024xf32, #tpu.memory_space<hbm>>
      %dma_start3A_19 = arith.constant 0 : i32
      %dma_start3A_20 = tpu.memref_slice %arg4[%add3A_10, %dma_start3A_19] : memref<4096x1024xf32, #tpu.memory_space<hbm>> -> memref<64x1024xf32, #tpu.memory_space<hbm>>
      tpu.enqueue_dma source(%arg6 : memref<64x1024xf32, #tpu.memory_space<vmem>>) target(%dma_start3A_20 : memref<64x1024xf32, #tpu.memory_space<hbm>>) target_semaphore(%run_scoped3A : memref<!tpu.dma_semaphore, #tpu.memory_space<semaphore_mem>>)
      %dma_wait3A_21 = arith.constant 0 : i32
      %dma_wait3A_22 = tpu.memref_slice %arg4[%add3A_10, %dma_wait3A_21] : memref<4096x1024xf32, #tpu.memory_space<hbm>> -> memref<64x1024xf32, #tpu.memory_space<hbm>>
      %dma_wait3A_23 = arith.constant 0 : i32
      %dma_wait3A_24 = tpu.memref_slice %arg4[%add3A_10, %dma_wait3A_23] : memref<4096x1024xf32, #tpu.memory_space<hbm>> -> memref<64x1024xf32, #tpu.memory_space<hbm>>
      tpu.wait_dma2 semaphore(%run_scoped3A : memref<!tpu.dma_semaphore, #tpu.memory_space<semaphore_mem>>) src(%arg6 : memref<64x1024xf32, #tpu.memory_space<vmem>>) dst(%dma_wait3A_24 : memref<64x1024xf32, #tpu.memory_space<hbm>>)
      tpu.yield
    }) : () -> ()
    return
  }
}

module attributes {stable_mosaic.version = 14 : i64} {
  func.func @_router_body(%arg0: memref<2048x1024xf32, #tpu.memory_space<vmem>>, %arg1: memref<64x1024xf32, #tpu.memory_space<vmem>>, %arg2: memref<2048x2xf32, #tpu.memory_space<vmem>>, %arg3: memref<2048x2xi32, #tpu.memory_space<vmem>>, %arg4: memref<128x1xi32, #tpu.memory_space<vmem>>, %arg5: memref<128x1xi32, #tpu.memory_space<vmem>>) attributes {dimension_semantics = [], scalar_prefetch = 0 : i64, scratch_operands = 0 : i64, tpu.core_type = #tpu.core_type<tc>} {
    %get3A = arith.constant 0 : index
    %get3A_0 = arith.constant 0 : index
    %get3A_1 = vector.load %arg0[%get3A, %get3A_0] : memref<2048x1024xf32, #tpu.memory_space<vmem>>, vector<2048x1024xf32>
    %get3A_2 = arith.constant 0 : index
    %get3A_3 = arith.constant 0 : index
    %get3A_4 = vector.load %arg1[%get3A_2, %get3A_3] : memref<64x1024xf32, #tpu.memory_space<vmem>>, vector<64x1024xf32>
    %transpose3A = tpu.transpose %get3A_4, [1, 0] : vector<64x1024xf32> -> vector<1024x64xf32>
    %dot_general3A = arith.constant dense<0.000000e+00> : vector<2048x64xf32>
    %dot_general3A_5 = tpu.matmul %get3A_1, %transpose3A, %dot_general3A {dimension_numbers = #tpu.dot_dimension_numbers<[1], [0], [0], [1], [0, 0, 1, 1], [], []>, transpose_lhs_hint = false} : vector<2048x1024xf32>, vector<1024x64xf32>, vector<2048x64xf32> -> vector<2048x64xf32>
    %logistic3A = arith.negf %dot_general3A_5 : vector<2048x64xf32>
    %logistic3A_6 = math.exp %logistic3A : vector<2048x64xf32>
    %logistic3A_7 = arith.constant 1.000000e+00 : f32
    %logistic3A_8 = vector.broadcast %logistic3A_7 : f32 to vector<2048x64xf32>
    %logistic3A_9 = arith.addf %logistic3A_8, %logistic3A_6 : vector<2048x64xf32>
    %logistic3A_10 = arith.divf %logistic3A_8, %logistic3A_9 : vector<2048x64xf32>
    %iota3A = tpu.iota {dimensions = array<i32: 1>} : vector<2048x64xi32>
    %reduce_max3A = arith.constant dense<0xFF800000> : vector<2048xf32>
    %reduce_max3A_11 = vector.multi_reduction <maximumf>, %logistic3A_10, %reduce_max3A [1] : vector<2048x64xf32> to vector<2048xf32>
    %broadcast_in_dim3A = vector.shape_cast %reduce_max3A_11 : vector<2048xf32> to vector<2048x1xf32>
    %eq3A = vector.broadcast %broadcast_in_dim3A : vector<2048x1xf32> to vector<2048x64xf32>
    %eq3A_12 = arith.cmpf oeq, %logistic3A_10, %eq3A : vector<2048x64xf32>
    %jit3A = arith.constant 64 : i32
    %broadcast_in_dim3A_13 = vector.broadcast %jit3A : i32 to vector<2048x64xi32>
    %select_n3A = arith.select %eq3A_12, %iota3A, %broadcast_in_dim3A_13 : vector<2048x64xi1>, vector<2048x64xi32>
    %reduce_min3A = arith.constant dense<2147483647> : vector<2048xi32>
    %reduce_min3A_14 = vector.multi_reduction <minsi>, %select_n3A, %reduce_min3A [1] : vector<2048x64xi32> to vector<2048xi32>
    %broadcast_in_dim3A_15 = vector.shape_cast %reduce_min3A_14 : vector<2048xi32> to vector<2048x1xi32>
    %eq3A_16 = vector.broadcast %broadcast_in_dim3A_15 : vector<2048x1xi32> to vector<2048x64xi32>
    %eq3A_17 = arith.cmpi eq, %iota3A, %eq3A_16 : vector<2048x64xi32>
    %jit3A_18 = arith.constant 0xFF800000 : f32
    %broadcast_in_dim3A_19 = vector.broadcast %jit3A_18 : f32 to vector<2048x64xf32>
    %select_n3A_20 = arith.select %eq3A_17, %broadcast_in_dim3A_19, %logistic3A_10 : vector<2048x64xi1>, vector<2048x64xf32>
    %reduce_max3A_21 = arith.constant dense<0xFF800000> : vector<2048xf32>
    %reduce_max3A_22 = vector.multi_reduction <maximumf>, %select_n3A_20, %reduce_max3A_21 [1] : vector<2048x64xf32> to vector<2048xf32>
    %broadcast_in_dim3A_23 = vector.shape_cast %reduce_max3A_22 : vector<2048xf32> to vector<2048x1xf32>
    %eq3A_24 = vector.broadcast %broadcast_in_dim3A_23 : vector<2048x1xf32> to vector<2048x64xf32>
    %eq3A_25 = arith.cmpf oeq, %select_n3A_20, %eq3A_24 : vector<2048x64xf32>
    %jit3A_26 = arith.constant 64 : i32
    %broadcast_in_dim3A_27 = vector.broadcast %jit3A_26 : i32 to vector<2048x64xi32>
    %select_n3A_28 = arith.select %eq3A_25, %iota3A, %broadcast_in_dim3A_27 : vector<2048x64xi1>, vector<2048x64xi32>
    %reduce_min3A_29 = arith.constant dense<2147483647> : vector<2048xi32>
    %reduce_min3A_30 = vector.multi_reduction <minsi>, %select_n3A_28, %reduce_min3A_29 [1] : vector<2048x64xi32> to vector<2048xi32>
    %broadcast_in_dim3A_31 = vector.shape_cast %reduce_min3A_30 : vector<2048xi32> to vector<2048x1xi32>
    %concatenate3A = tpu.concatenate %broadcast_in_dim3A, %broadcast_in_dim3A_23 in 1 : vector<2048x1xf32>, vector<2048x1xf32> -> vector<2048x2xf32>
    %swap3A = arith.constant 0 : index
    %swap3A_32 = arith.constant 0 : index
    %swap3A_33 = vector.load %arg2[%swap3A, %swap3A_32] : memref<2048x2xf32, #tpu.memory_space<vmem>>, vector<2048x2xf32>
    tpu.vector_store %arg2[%swap3A, %swap3A_32], %concatenate3A {strides = array<i32>} : memref<2048x2xf32, #tpu.memory_space<vmem>>, vector<2048x2xf32>,
    %eq3A_34 = vector.broadcast %broadcast_in_dim3A_15 : vector<2048x1xi32> to vector<2048x64xi32>
    %eq3A_35 = arith.cmpi eq, %iota3A, %eq3A_34 : vector<2048x64xi32>
    %eq3A_36 = vector.broadcast %broadcast_in_dim3A_31 : vector<2048x1xi32> to vector<2048x64xi32>
    %eq3A_37 = arith.cmpi eq, %iota3A, %eq3A_36 : vector<2048x64xi32>
    %or3A = arith.ori %eq3A_35, %eq3A_37 : vector<2048x64xi1>
    %convert_element_type3A = arith.extui %or3A : vector<2048x64xi1> to vector<2048x64xi32>
    %convert_element_type3A_38 = arith.sitofp %convert_element_type3A : vector<2048x64xi32> to vector<2048x64xf32>
    %iota3A_39 = tpu.iota {dimensions = array<i32: 0>} : vector<512x512xi32>
    %iota3A_40 = tpu.iota {dimensions = array<i32: 1>} : vector<512x512xi32>
    %gt3A = arith.cmpi sgt, %iota3A_39, %iota3A_40 : vector<512x512xi32>
    %convert_element_type3A_41 = arith.extui %gt3A : vector<512x512xi1> to vector<512x512xi32>
    %convert_element_type3A_42 = arith.sitofp %convert_element_type3A_41 : vector<512x512xi32> to vector<512x512xf32>
    %broadcast_in_dim3A_43 = arith.constant 0.000000e+00 : f32
    %broadcast_in_dim3A_44 = vector.broadcast %broadcast_in_dim3A_43 : f32 to vector<1x64xf32>
    %slice3A = vector.extract_strided_slice %convert_element_type3A_38 {offsets = [0, 0], sizes = [512, 64], strides = [1, 1]} : vector<2048x64xf32> to vector<512x64xf32>
    %dot_general3A_45 = arith.constant dense<0.000000e+00> : vector<512x64xf32>
    %dot_general3A_46 = tpu.matmul %convert_element_type3A_42, %slice3A, %dot_general3A_45 {dimension_numbers = #tpu.dot_dimension_numbers<[1], [0], [0], [1], [0, 0, 1, 1], [], []>, transpose_lhs_hint = false} : vector<512x512xf32>, vector<512x64xf32>, vector<512x64xf32> -> vector<512x64xf32>
    %add3A = vector.broadcast %broadcast_in_dim3A_44 : vector<1x64xf32> to vector<512x64xf32>
    %add3A_47 = arith.addf %dot_general3A_46, %add3A : vector<512x64xf32>
    %reduce_sum3A = arith.constant dense<0.000000e+00> : vector<64xf32>
    %reduce_sum3A_48 = vector.multi_reduction <add>, %slice3A, %reduce_sum3A [0] : vector<512x64xf32> to vector<64xf32>
    %broadcast_in_dim3A_49 = vector.shape_cast %reduce_sum3A_48 : vector<64xf32> to vector<1x64xf32>
    %add3A_50 = arith.addf %broadcast_in_dim3A_44, %broadcast_in_dim3A_49 : vector<1x64xf32>
    %slice3A_51 = vector.extract_strided_slice %convert_element_type3A_38 {offsets = [512, 0], sizes = [512, 64], strides = [1, 1]} : vector<2048x64xf32> to vector<512x64xf32>
    %dot_general3A_52 = arith.constant dense<0.000000e+00> : vector<512x64xf32>
    %dot_general3A_53 = tpu.matmul %convert_element_type3A_42, %slice3A_51, %dot_general3A_52 {dimension_numbers = #tpu.dot_dimension_numbers<[1], [0], [0], [1], [0, 0, 1, 1], [], []>, transpose_lhs_hint = false} : vector<512x512xf32>, vector<512x64xf32>, vector<512x64xf32> -> vector<512x64xf32>
    %add3A_54 = vector.broadcast %add3A_50 : vector<1x64xf32> to vector<512x64xf32>
    %add3A_55 = arith.addf %dot_general3A_53, %add3A_54 : vector<512x64xf32>
    %reduce_sum3A_56 = arith.constant dense<0.000000e+00> : vector<64xf32>
    %reduce_sum3A_57 = vector.multi_reduction <add>, %slice3A_51, %reduce_sum3A_56 [0] : vector<512x64xf32> to vector<64xf32>
    %broadcast_in_dim3A_58 = vector.shape_cast %reduce_sum3A_57 : vector<64xf32> to vector<1x64xf32>
    %add3A_59 = arith.addf %add3A_50, %broadcast_in_dim3A_58 : vector<1x64xf32>
    %slice3A_60 = vector.extract_strided_slice %convert_element_type3A_38 {offsets = [1024, 0], sizes = [512, 64], strides = [1, 1]} : vector<2048x64xf32> to vector<512x64xf32>
    %dot_general3A_61 = arith.constant dense<0.000000e+00> : vector<512x64xf32>
    %dot_general3A_62 = tpu.matmul %convert_element_type3A_42, %slice3A_60, %dot_general3A_61 {dimension_numbers = #tpu.dot_dimension_numbers<[1], [0], [0], [1], [0, 0, 1, 1], [], []>, transpose_lhs_hint = false} : vector<512x512xf32>, vector<512x64xf32>, vector<512x64xf32> -> vector<512x64xf32>
    %add3A_63 = vector.broadcast %add3A_59 : vector<1x64xf32> to vector<512x64xf32>
    %add3A_64 = arith.addf %dot_general3A_62, %add3A_63 : vector<512x64xf32>
    %reduce_sum3A_65 = arith.constant dense<0.000000e+00> : vector<64xf32>
    %reduce_sum3A_66 = vector.multi_reduction <add>, %slice3A_60, %reduce_sum3A_65 [0] : vector<512x64xf32> to vector<64xf32>
    %broadcast_in_dim3A_67 = vector.shape_cast %reduce_sum3A_66 : vector<64xf32> to vector<1x64xf32>
    %add3A_68 = arith.addf %add3A_59, %broadcast_in_dim3A_67 : vector<1x64xf32>
    %slice3A_69 = vector.extract_strided_slice %convert_element_type3A_38 {offsets = [1536, 0], sizes = [512, 64], strides = [1, 1]} : vector<2048x64xf32> to vector<512x64xf32>
    %dot_general3A_70 = arith.constant dense<0.000000e+00> : vector<512x64xf32>
    %dot_general3A_71 = tpu.matmul %convert_element_type3A_42, %slice3A_69, %dot_general3A_70 {dimension_numbers = #tpu.dot_dimension_numbers<[1], [0], [0], [1], [0, 0, 1, 1], [], []>, transpose_lhs_hint = false} : vector<512x512xf32>, vector<512x64xf32>, vector<512x64xf32> -> vector<512x64xf32>
    %add3A_72 = vector.broadcast %add3A_68 : vector<1x64xf32> to vector<512x64xf32>
    %add3A_73 = arith.addf %dot_general3A_71, %add3A_72 : vector<512x64xf32>
    %reduce_sum3A_74 = arith.constant dense<0.000000e+00> : vector<64xf32>
    %reduce_sum3A_75 = vector.multi_reduction <add>, %slice3A_69, %reduce_sum3A_74 [0] : vector<512x64xf32> to vector<64xf32>
    %broadcast_in_dim3A_76 = vector.shape_cast %reduce_sum3A_75 : vector<64xf32> to vector<1x64xf32>
    %add3A_77 = arith.addf %add3A_68, %broadcast_in_dim3A_76 : vector<1x64xf32>
    %concatenate3A_78 = tpu.concatenate %add3A_47, %add3A_55, %add3A_64, %add3A_73 in 0 : vector<512x64xf32>, vector<512x64xf32>, vector<512x64xf32>, vector<512x64xf32> -> vector<2048x64xf32>
    %add3A_79 = arith.constant 6.300000e+01 : f32
    %add3A_80 = vector.broadcast %add3A_79 : f32 to vector<1x64xf32>
    %add3A_81 = arith.addf %add3A_77, %add3A_80 : vector<1x64xf32>
    %mul3A = arith.constant 1.562500e-02 : f32
    %mul3A_82 = vector.broadcast %mul3A : f32 to vector<1x64xf32>
    %mul3A_83 = arith.mulf %add3A_81, %mul3A_82 : vector<1x64xf32>
    %floor3A = math.floor %mul3A_83 : vector<1x64xf32>
    %iota3A_84 = tpu.iota {dimensions = array<i32: 0>} : vector<64x64xi32>
    %iota3A_85 = tpu.iota {dimensions = array<i32: 1>} : vector<64x64xi32>
    %le3A = arith.cmpi sle, %iota3A_84, %iota3A_85 : vector<64x64xi32>
    %convert_element_type3A_86 = arith.extui %le3A : vector<64x64xi1> to vector<64x64xi32>
    %convert_element_type3A_87 = arith.sitofp %convert_element_type3A_86 : vector<64x64xi32> to vector<64x64xf32>
    %dot_general3A_88 = arith.constant dense<0.000000e+00> : vector<1x64xf32>
    %dot_general3A_89 = tpu.matmul %floor3A, %convert_element_type3A_87, %dot_general3A_88 {dimension_numbers = #tpu.dot_dimension_numbers<[1], [0], [0], [1], [0, 0, 1, 1], [], []>, transpose_lhs_hint = false} : vector<1x64xf32>, vector<64x64xf32>, vector<1x64xf32> -> vector<1x64xf32>
    %sub3A = arith.subf %dot_general3A_89, %floor3A : vector<1x64xf32>
    %mul3A_90 = arith.constant 6.400000e+01 : f32
    %mul3A_91 = vector.broadcast %mul3A_90 : f32 to vector<1x64xf32>
    %mul3A_92 = arith.mulf %sub3A, %mul3A_91 : vector<1x64xf32>
    %eq3A_93 = vector.broadcast %broadcast_in_dim3A_15 : vector<2048x1xi32> to vector<2048x64xi32>
    %eq3A_94 = arith.cmpi eq, %iota3A, %eq3A_93 : vector<2048x64xi32>
    %convert_element_type3A_95 = arith.extui %eq3A_94 : vector<2048x64xi1> to vector<2048x64xi32>
    %convert_element_type3A_96 = arith.sitofp %convert_element_type3A_95 : vector<2048x64xi32> to vector<2048x64xf32>
    %eq3A_97 = vector.broadcast %broadcast_in_dim3A_31 : vector<2048x1xi32> to vector<2048x64xi32>
    %eq3A_98 = arith.cmpi eq, %iota3A, %eq3A_97 : vector<2048x64xi32>
    %convert_element_type3A_99 = arith.extui %eq3A_98 : vector<2048x64xi1> to vector<2048x64xi32>
    %convert_element_type3A_100 = arith.sitofp %convert_element_type3A_99 : vector<2048x64xi32> to vector<2048x64xf32>
    %add3A_101 = vector.broadcast %mul3A_92 : vector<1x64xf32> to vector<2048x64xf32>
    %add3A_102 = arith.addf %add3A_101, %concatenate3A_78 : vector<2048x64xf32>
    %mul3A_103 = arith.mulf %convert_element_type3A_96, %add3A_102 : vector<2048x64xf32>
    %reduce_sum3A_104 = arith.constant dense<0.000000e+00> : vector<2048xf32>
    %reduce_sum3A_105 = vector.multi_reduction <add>, %mul3A_103, %reduce_sum3A_104 [1] : vector<2048x64xf32> to vector<2048xf32>
    %broadcast_in_dim3A_106 = vector.shape_cast %reduce_sum3A_105 : vector<2048xf32> to vector<2048x1xf32>
    %add3A_107 = vector.broadcast %mul3A_92 : vector<1x64xf32> to vector<2048x64xf32>
    %add3A_108 = arith.addf %add3A_107, %concatenate3A_78 : vector<2048x64xf32>
    %mul3A_109 = arith.mulf %convert_element_type3A_100, %add3A_108 : vector<2048x64xf32>
    %reduce_sum3A_110 = arith.constant dense<0.000000e+00> : vector<2048xf32>
    %reduce_sum3A_111 = vector.multi_reduction <add>, %mul3A_109, %reduce_sum3A_110 [1] : vector<2048x64xf32> to vector<2048xf32>
    %broadcast_in_dim3A_112 = vector.shape_cast %reduce_sum3A_111 : vector<2048xf32> to vector<2048x1xf32>
    %concatenate3A_113 = tpu.concatenate %broadcast_in_dim3A_106, %broadcast_in_dim3A_112 in 1 : vector<2048x1xf32>, vector<2048x1xf32> -> vector<2048x2xf32>
    %convert_element_type3A_114 = arith.fptosi %concatenate3A_113 : vector<2048x2xf32> to vector<2048x2xi32>
    %swap3A_115 = arith.constant 0 : index
    %swap3A_116 = arith.constant 0 : index
    %swap3A_117 = vector.load %arg3[%swap3A_115, %swap3A_116] : memref<2048x2xi32, #tpu.memory_space<vmem>>, vector<2048x2xi32>
    tpu.vector_store %arg3[%swap3A_115, %swap3A_116], %convert_element_type3A_114 {strides = array<i32>} : memref<2048x2xi32, #tpu.memory_space<vmem>>, vector<2048x2xi32>,
    %iota3A_118 = tpu.iota {dimensions = array<i32: 0>} : vector<128x1xi32>
    %convert_element_type3A_119 = arith.sitofp %iota3A_118 : vector<128x1xi32> to vector<128x1xf32>
    %le3A_120 = vector.broadcast %dot_general3A_89 : vector<1x64xf32> to vector<128x64xf32>
    %le3A_121 = vector.broadcast %convert_element_type3A_119 : vector<128x1xf32> to vector<128x64xf32>
    %le3A_122 = arith.cmpf ole, %le3A_120, %le3A_121 : vector<128x64xf32>
    %convert_element_type3A_123 = arith.extui %le3A_122 : vector<128x64xi1> to vector<128x64xi32>
    %reduce_sum3A_124 = arith.constant dense<0> : vector<128xi32>
    %reduce_sum3A_125 = vector.multi_reduction <add>, %convert_element_type3A_123, %reduce_sum3A_124 [1] : vector<128x64xi32> to vector<128xi32>
    %broadcast_in_dim3A_126 = vector.shape_cast %reduce_sum3A_125 : vector<128xi32> to vector<128x1xi32>
    %iota3A_127 = tpu.iota {dimensions = array<i32: 1>} : vector<1x64xi32>
    %eq3A_128 = arith.constant 63 : i32
    %eq3A_129 = vector.broadcast %eq3A_128 : i32 to vector<1x64xi32>
    %eq3A_130 = arith.cmpi eq, %iota3A_127, %eq3A_129 : vector<1x64xi32>
    %jit3A_131 = arith.constant 0.000000e+00 : f32
    %broadcast_in_dim3A_132 = vector.broadcast %jit3A_131 : f32 to vector<1x64xf32>
    %select_n3A_133 = arith.select %eq3A_130, %dot_general3A_89, %broadcast_in_dim3A_132 : vector<1x64xi1>, vector<1x64xf32>
    %reduce_sum3A_134 = arith.constant dense<0.000000e+00> : vector<1xf32>
    %reduce_sum3A_135 = vector.multi_reduction <add>, %select_n3A_133, %reduce_sum3A_134 [1] : vector<1x64xf32> to vector<1xf32>
    %broadcast_in_dim3A_136 = vector.shape_cast %reduce_sum3A_135 : vector<1xf32> to vector<1x1xf32>
    %lt3A = vector.broadcast %broadcast_in_dim3A_136 : vector<1x1xf32> to vector<128x1xf32>
    %lt3A_137 = arith.cmpf olt, %convert_element_type3A_119, %lt3A : vector<128x1xf32>
    %sub3A_138 = arith.constant 1.000000e+00 : f32
    %sub3A_139 = vector.broadcast %sub3A_138 : f32 to vector<1x1xf32>
    %sub3A_140 = arith.subf %broadcast_in_dim3A_136, %sub3A_139 : vector<1x1xf32>
    %eq3A_141 = vector.broadcast %sub3A_140 : vector<1x1xf32> to vector<128x1xf32>
    %eq3A_142 = arith.cmpf oeq, %convert_element_type3A_119, %eq3A_141 : vector<128x1xf32>
    %jit3A_143 = arith.constant 0 : i32
    %broadcast_in_dim3A_144 = vector.broadcast %jit3A_143 : i32 to vector<128x1xi32>
    %select_n3A_145 = arith.select %eq3A_142, %broadcast_in_dim3A_126, %broadcast_in_dim3A_144 : vector<128x1xi1>, vector<128x1xi32>
    %reduce_sum3A_146 = arith.constant dense<0> : vector<1xi32>
    %reduce_sum3A_147 = vector.multi_reduction <add>, %select_n3A_145, %reduce_sum3A_146 [0] : vector<128x1xi32> to vector<1xi32>
    %broadcast_in_dim3A_148 = vector.shape_cast %reduce_sum3A_147 : vector<1xi32> to vector<1x1xi32>
    %min3A = arith.constant 63 : i32
    %min3A_149 = vector.broadcast %min3A : i32 to vector<128x1xi32>
    %min3A_150 = arith.minsi %broadcast_in_dim3A_126, %min3A_149 : vector<128x1xi32>
    %broadcast_in_dim3A_151 = vector.shape_cast %broadcast_in_dim3A_148 : vector<1x1xi32> to vector<1x1xi32>
    %broadcast_in_dim3A_152 = vector.broadcast %broadcast_in_dim3A_151 : vector<1x1xi32> to vector<128x1xi32>
    %select_n3A_153 = arith.select %lt3A_137, %min3A_150, %broadcast_in_dim3A_152 : vector<128x1xi1>, vector<128x1xi32>
    %swap3A_154 = arith.constant 0 : index
    %swap3A_155 = arith.constant 0 : index
    %swap3A_156 = vector.load %arg4[%swap3A_154, %swap3A_155] : memref<128x1xi32, #tpu.memory_space<vmem>>, vector<128x1xi32>
    tpu.vector_store %arg4[%swap3A_154, %swap3A_155], %select_n3A_153 {strides = array<i32>} : memref<128x1xi32, #tpu.memory_space<vmem>>, vector<128x1xi32>,
    %convert_element_type3A_157 = arith.extui %lt3A_137 : vector<128x1xi1> to vector<128x1xi32>
    %swap3A_158 = arith.constant 0 : index
    %swap3A_159 = arith.constant 0 : index
    %swap3A_160 = vector.load %arg5[%swap3A_158, %swap3A_159] : memref<128x1xi32, #tpu.memory_space<vmem>>, vector<128x1xi32>
    tpu.vector_store %arg5[%swap3A_158, %swap3A_159], %convert_element_type3A_157 {strides = array<i32>} : memref<128x1xi32, #tpu.memory_space<vmem>>, vector<128x1xi32>,
    return
  }
}

module attributes {stable_mosaic.version = 14 : i64} {
  func.func @_expert_body(%arg0: i32, %arg1: memref<128xi32, #tpu.memory_space<smem>>, %arg2: memref<128xi32, #tpu.memory_space<smem>>, %arg3: memref<64x1024xf32, #tpu.memory_space<vmem>>, %arg4: memref<1x1024x1024xf32, #tpu.memory_space<vmem>>, %arg5: memref<1x1024x512xf32, #tpu.memory_space<vmem>>, %arg6: memref<64x1024xf32, #tpu.memory_space<vmem>>) attributes {dimension_semantics = [#tpu.dimension_semantics<arbitrary>], iteration_bounds = array<i64: 128>, scalar_prefetch = 2 : i64, scratch_operands = 0 : i64, tpu.core_type = #tpu.core_type<tc>, window_params = [{transform_indices = @transform_0, window_bounds = array<i64: 64, 1024>}, {transform_indices = @transform_1, window_bounds = array<i64: 1, 1024, 1024>}, {transform_indices = @transform_2, window_bounds = array<i64: 1, 1024, 512>}, {transform_indices = @transform_3, window_bounds = array<i64: 64, 1024>}]} {
    %get3A = arith.index_cast %arg0 : i32 to index
    %get3A_0 = memref.load %arg2[%get3A] : memref<128xi32, #tpu.memory_space<smem>>
    %gt3A = arith.constant 0 : i32
    %gt3A_1 = arith.cmpi sgt, %get3A_0, %gt3A : i32
    %convert_element_type3A = arith.extui %gt3A_1 : i1 to i32
    %cond3A = arith.constant 0 : i32
    %cond3A_2 = arith.cmpi ne, %convert_element_type3A, %cond3A : i32
    scf.if %cond3A_2 {
      %get3A_3 = arith.constant 0 : index
      %get3A_4 = arith.constant 0 : index
      %get3A_5 = vector.load %arg3[%get3A_3, %get3A_4] : memref<64x1024xf32, #tpu.memory_space<vmem>>, vector<64x1024xf32>
      %get3A_6 = arith.constant 0 : index
      %get3A_7 = arith.constant 0 : index
      %get3A_8 = arith.constant 0 : index
      %get3A_9 = vector.load %arg4[%get3A_6, %get3A_7, %get3A_8] : memref<1x1024x1024xf32, #tpu.memory_space<vmem>>, vector<1x1024x1024xf32>
      %get3A_10 = vector.shape_cast %get3A_9 : vector<1x1024x1024xf32> to vector<1024x1024xf32>
      %transpose3A = tpu.transpose %get3A_10, [1, 0] : vector<1024x1024xf32> -> vector<1024x1024xf32>
      %dot_general3A = arith.constant dense<0.000000e+00> : vector<64x1024xf32>
      %dot_general3A_11 = tpu.matmul %get3A_5, %transpose3A, %dot_general3A {dimension_numbers = #tpu.dot_dimension_numbers<[1], [0], [0], [1], [0, 0, 1, 1], [], []>, transpose_lhs_hint = false} : vector<64x1024xf32>, vector<1024x1024xf32>, vector<64x1024xf32> -> vector<64x1024xf32>
      %slice3A = vector.extract_strided_slice %dot_general3A_11 {offsets = [0, 0], sizes = [64, 512], strides = [1, 1]} : vector<64x1024xf32> to vector<64x512xf32>
      %slice3A_12 = vector.extract_strided_slice %dot_general3A_11 {offsets = [0, 512], sizes = [64, 512], strides = [1, 1]} : vector<64x1024xf32> to vector<64x512xf32>
      %logistic3A = arith.negf %slice3A : vector<64x512xf32>
      %logistic3A_13 = math.exp %logistic3A : vector<64x512xf32>
      %logistic3A_14 = arith.constant 1.000000e+00 : f32
      %logistic3A_15 = vector.broadcast %logistic3A_14 : f32 to vector<64x512xf32>
      %logistic3A_16 = arith.addf %logistic3A_15, %logistic3A_13 : vector<64x512xf32>
      %logistic3A_17 = arith.divf %logistic3A_15, %logistic3A_16 : vector<64x512xf32>
      %mul3A = arith.mulf %slice3A, %logistic3A_17 : vector<64x512xf32>
      %mul3A_18 = arith.mulf %mul3A, %slice3A_12 : vector<64x512xf32>
      %get3A_19 = arith.constant 0 : index
      %get3A_20 = arith.constant 0 : index
      %get3A_21 = arith.constant 0 : index
      %get3A_22 = vector.load %arg5[%get3A_19, %get3A_20, %get3A_21] : memref<1x1024x512xf32, #tpu.memory_space<vmem>>, vector<1x1024x512xf32>
      %get3A_23 = vector.shape_cast %get3A_22 : vector<1x1024x512xf32> to vector<1024x512xf32>
      %transpose3A_24 = tpu.transpose %get3A_23, [1, 0] : vector<1024x512xf32> -> vector<512x1024xf32>
      %dot_general3A_25 = arith.constant dense<0.000000e+00> : vector<64x1024xf32>
      %dot_general3A_26 = tpu.matmul %mul3A_18, %transpose3A_24, %dot_general3A_25 {dimension_numbers = #tpu.dot_dimension_numbers<[1], [0], [0], [1], [0, 0, 1, 1], [], []>, transpose_lhs_hint = false} : vector<64x512xf32>, vector<512x1024xf32>, vector<64x1024xf32> -> vector<64x1024xf32>
      %swap3A = arith.constant 0 : index
      %swap3A_27 = arith.constant 0 : index
      %swap3A_28 = vector.load %arg6[%swap3A, %swap3A_27] : memref<64x1024xf32, #tpu.memory_space<vmem>>, vector<64x1024xf32>
      tpu.vector_store %arg6[%swap3A, %swap3A_27], %dot_general3A_26 {strides = array<i32>} : memref<64x1024xf32, #tpu.memory_space<vmem>>, vector<64x1024xf32>,
    } else {
    }
    return
  }
  func.func @transform_0(%arg0: i32, %arg1: memref<128xi32, #tpu.memory_space<smem>>, %arg2: memref<128xi32, #tpu.memory_space<smem>>) -> (i32, i32) {
    %get3A = arith.index_cast %arg0 : i32 to index
    %get3A_0 = memref.load %arg2[%get3A] : memref<128xi32, #tpu.memory_space<smem>>
    %gt3A = arith.constant 0 : i32
    %gt3A_1 = arith.cmpi sgt, %get3A_0, %gt3A : i32
    %jit3A = arith.constant 127 : i32
    %select_n3A = arith.select %gt3A_1, %arg0, %jit3A : i32
    %c0_i32 = arith.constant 0 : i32
    %c0_i32_2 = arith.constant 0 : i32
    return %select_n3A, %c0_i32 : i32, i32
  }
  func.func @transform_1(%arg0: i32, %arg1: memref<128xi32, #tpu.memory_space<smem>>, %arg2: memref<128xi32, #tpu.memory_space<smem>>) -> (i32, i32, i32) {
    %get3A = arith.index_cast %arg0 : i32 to index
    %get3A_0 = memref.load %arg1[%get3A] : memref<128xi32, #tpu.memory_space<smem>>
    %c0_i32 = arith.constant 0 : i32
    %c0_i32_1 = arith.constant 0 : i32
    %c0_i32_2 = arith.constant 0 : i32
    return %get3A_0, %c0_i32, %c0_i32_1 : i32, i32, i32
  }
  func.func @transform_2(%arg0: i32, %arg1: memref<128xi32, #tpu.memory_space<smem>>, %arg2: memref<128xi32, #tpu.memory_space<smem>>) -> (i32, i32, i32) {
    %get3A = arith.index_cast %arg0 : i32 to index
    %get3A_0 = memref.load %arg1[%get3A] : memref<128xi32, #tpu.memory_space<smem>>
    %c0_i32 = arith.constant 0 : i32
    %c0_i32_1 = arith.constant 0 : i32
    %c0_i32_2 = arith.constant 0 : i32
    return %get3A_0, %c0_i32, %c0_i32_1 : i32, i32, i32
  }
  func.func @transform_3(%arg0: i32, %arg1: memref<128xi32, #tpu.memory_space<smem>>, %arg2: memref<128xi32, #tpu.memory_space<smem>>) -> (i32, i32) {
    %get3A = arith.index_cast %arg0 : i32 to index
    %get3A_0 = memref.load %arg2[%get3A] : memref<128xi32, #tpu.memory_space<smem>>
    %gt3A = arith.constant 0 : i32
    %gt3A_1 = arith.cmpi sgt, %get3A_0, %gt3A : i32
    %jit3A = arith.constant 127 : i32
    %select_n3A = arith.select %gt3A_1, %arg0, %jit3A : i32
    %c0_i32 = arith.constant 0 : i32
    %c0_i32_2 = arith.constant 0 : i32
    return %select_n3A, %c0_i32 : i32, i32
  }
}

module attributes {stable_mosaic.version = 14 : i64} {
  func.func @_shared_body(%arg0: i32, %arg1: memref<256x1024xf32, #tpu.memory_space<vmem>>, %arg2: memref<2048x1024xf32, #tpu.memory_space<vmem>>, %arg3: memref<1024x1024xf32, #tpu.memory_space<vmem>>, %arg4: memref<256x1024xf32, #tpu.memory_space<vmem>>) attributes {dimension_semantics = [#tpu.dimension_semantics<arbitrary>], iteration_bounds = array<i64: 8>, scalar_prefetch = 0 : i64, scratch_operands = 0 : i64, tpu.core_type = #tpu.core_type<tc>, window_params = [{transform_indices = @transform_0, window_bounds = array<i64: 256, 1024>}, {pipeline_mode = #tpu.pipeline_mode<synchronous>, transform_indices = @transform_1, window_bounds = array<i64: 2048, 1024>}, {pipeline_mode = #tpu.pipeline_mode<synchronous>, transform_indices = @transform_2, window_bounds = array<i64: 1024, 1024>}, {transform_indices = @transform_3, window_bounds = array<i64: 256, 1024>}]} {
    %get3A = arith.constant 0 : index
    %get3A_0 = arith.constant 0 : index
    %get3A_1 = vector.load %arg1[%get3A, %get3A_0] : memref<256x1024xf32, #tpu.memory_space<vmem>>, vector<256x1024xf32>
    %get3A_2 = arith.constant 0 : index
    %get3A_3 = arith.constant 0 : index
    %get3A_4 = vector.load %arg2[%get3A_2, %get3A_3] : memref<2048x1024xf32, #tpu.memory_space<vmem>>, vector<2048x1024xf32>
    %transpose3A = tpu.transpose %get3A_4, [1, 0] : vector<2048x1024xf32> -> vector<1024x2048xf32>
    %dot_general3A = arith.constant dense<0.000000e+00> : vector<256x2048xf32>
    %dot_general3A_5 = tpu.matmul %get3A_1, %transpose3A, %dot_general3A {dimension_numbers = #tpu.dot_dimension_numbers<[1], [0], [0], [1], [0, 0, 1, 1], [], []>, transpose_lhs_hint = false} : vector<256x1024xf32>, vector<1024x2048xf32>, vector<256x2048xf32> -> vector<256x2048xf32>
    %slice3A = vector.extract_strided_slice %dot_general3A_5 {offsets = [0, 0], sizes = [256, 1024], strides = [1, 1]} : vector<256x2048xf32> to vector<256x1024xf32>
    %slice3A_6 = vector.extract_strided_slice %dot_general3A_5 {offsets = [0, 1024], sizes = [256, 1024], strides = [1, 1]} : vector<256x2048xf32> to vector<256x1024xf32>
    %logistic3A = arith.negf %slice3A : vector<256x1024xf32>
    %logistic3A_7 = math.exp %logistic3A : vector<256x1024xf32>
    %logistic3A_8 = arith.constant 1.000000e+00 : f32
    %logistic3A_9 = vector.broadcast %logistic3A_8 : f32 to vector<256x1024xf32>
    %logistic3A_10 = arith.addf %logistic3A_9, %logistic3A_7 : vector<256x1024xf32>
    %logistic3A_11 = arith.divf %logistic3A_9, %logistic3A_10 : vector<256x1024xf32>
    %mul3A = arith.mulf %slice3A, %logistic3A_11 : vector<256x1024xf32>
    %mul3A_12 = arith.mulf %mul3A, %slice3A_6 : vector<256x1024xf32>
    %get3A_13 = arith.constant 0 : index
    %get3A_14 = arith.constant 0 : index
    %get3A_15 = vector.load %arg3[%get3A_13, %get3A_14] : memref<1024x1024xf32, #tpu.memory_space<vmem>>, vector<1024x1024xf32>
    %transpose3A_16 = tpu.transpose %get3A_15, [1, 0] : vector<1024x1024xf32> -> vector<1024x1024xf32>
    %dot_general3A_17 = arith.constant dense<0.000000e+00> : vector<256x1024xf32>
    %dot_general3A_18 = tpu.matmul %mul3A_12, %transpose3A_16, %dot_general3A_17 {dimension_numbers = #tpu.dot_dimension_numbers<[1], [0], [0], [1], [0, 0, 1, 1], [], []>, transpose_lhs_hint = false} : vector<256x1024xf32>, vector<1024x1024xf32>, vector<256x1024xf32> -> vector<256x1024xf32>
    %swap3A = arith.constant 0 : index
    %swap3A_19 = arith.constant 0 : index
    %swap3A_20 = vector.load %arg4[%swap3A, %swap3A_19] : memref<256x1024xf32, #tpu.memory_space<vmem>>, vector<256x1024xf32>
    tpu.vector_store %arg4[%swap3A, %swap3A_19], %dot_general3A_18 {strides = array<i32>} : memref<256x1024xf32, #tpu.memory_space<vmem>>, vector<256x1024xf32>,
    return
  }
  func.func @transform_0(%arg0: i32) -> (i32, i32) {
    %c0_i32 = arith.constant 0 : i32
    %c0_i32_0 = arith.constant 0 : i32
    return %arg0, %c0_i32 : i32, i32
  }
  func.func @transform_1(%arg0: i32) -> (i32, i32) {
    %c0_i32 = arith.constant 0 : i32
    %c0_i32_0 = arith.constant 0 : i32
    %c0_i32_1 = arith.constant 0 : i32
    return %c0_i32, %c0_i32_0 : i32, i32
  }
  func.func @transform_2(%arg0: i32) -> (i32, i32) {
    %c0_i32 = arith.constant 0 : i32
    %c0_i32_0 = arith.constant 0 : i32
    %c0_i32_1 = arith.constant 0 : i32
    return %c0_i32, %c0_i32_0 : i32, i32
  }
  func.func @transform_3(%arg0: i32) -> (i32, i32) {
    %c0_i32 = arith.constant 0 : i32
    %c0_i32_0 = arith.constant 0 : i32
    return %arg0, %c0_i32 : i32, i32
  }
}

module attributes {stable_mosaic.version = 14 : i64} {
  func.func @_combine_body(%arg0: i32, %arg1: memref<256x1024xf32, #tpu.memory_space<vmem>>, %arg2: memref<256x1024xf32, #tpu.memory_space<vmem>>, %arg3: memref<256x1024xf32, #tpu.memory_space<vmem>>, %arg4: memref<256x2xf32, #tpu.memory_space<vmem>>, %arg5: memref<256x1024xf32, #tpu.memory_space<vmem>>) attributes {dimension_semantics = [#tpu.dimension_semantics<arbitrary>], iteration_bounds = array<i64: 8>, scalar_prefetch = 0 : i64, scratch_operands = 0 : i64, tpu.core_type = #tpu.core_type<tc>, window_params = [{transform_indices = @transform_0, window_bounds = array<i64: 256, 1024>}, {transform_indices = @transform_1, window_bounds = array<i64: 256, 1024>}, {transform_indices = @transform_2, window_bounds = array<i64: 256, 1024>}, {transform_indices = @transform_3, window_bounds = array<i64: 256, 2>}, {transform_indices = @transform_4, window_bounds = array<i64: 256, 1024>}]} {
    %get3A = arith.constant 0 : index
    %get3A_0 = arith.constant 0 : index
    %get3A_1 = vector.load %arg4[%get3A, %get3A_0] : memref<256x2xf32, #tpu.memory_space<vmem>>, vector<256x1xf32>
    %get3A_2 = arith.constant 0 : index
    %get3A_3 = arith.constant 0 : index
    %get3A_4 = vector.load %arg2[%get3A_2, %get3A_3] : memref<256x1024xf32, #tpu.memory_space<vmem>>, vector<256x1024xf32>
    %mul3A = vector.broadcast %get3A_1 : vector<256x1xf32> to vector<256x1024xf32>
    %mul3A_5 = arith.mulf %mul3A, %get3A_4 : vector<256x1024xf32>
    %get3A_6 = arith.constant 0 : index
    %get3A_7 = arith.constant 1 : index
    %get3A_8 = vector.load %arg4[%get3A_6, %get3A_7] : memref<256x2xf32, #tpu.memory_space<vmem>>, vector<256x1xf32>
    %get3A_9 = arith.constant 0 : index
    %get3A_10 = arith.constant 0 : index
    %get3A_11 = vector.load %arg3[%get3A_9, %get3A_10] : memref<256x1024xf32, #tpu.memory_space<vmem>>, vector<256x1024xf32>
    %mul3A_12 = vector.broadcast %get3A_8 : vector<256x1xf32> to vector<256x1024xf32>
    %mul3A_13 = arith.mulf %mul3A_12, %get3A_11 : vector<256x1024xf32>
    %add3A = arith.addf %mul3A_5, %mul3A_13 : vector<256x1024xf32>
    %get3A_14 = arith.constant 0 : index
    %get3A_15 = arith.constant 0 : index
    %get3A_16 = vector.load %arg1[%get3A_14, %get3A_15] : memref<256x1024xf32, #tpu.memory_space<vmem>>, vector<256x1024xf32>
    %mul3A_17 = arith.constant 2.000000e+00 : f32
    %mul3A_18 = vector.broadcast %mul3A_17 : f32 to vector<256x1024xf32>
    %mul3A_19 = arith.mulf %mul3A_18, %add3A : vector<256x1024xf32>
    %add3A_20 = arith.addf %get3A_16, %mul3A_19 : vector<256x1024xf32>
    %div3A = arith.constant 3.000000e+00 : f32
    %div3A_21 = vector.broadcast %div3A : f32 to vector<256x1024xf32>
    %div3A_22 = arith.divf %add3A_20, %div3A_21 : vector<256x1024xf32>
    %swap3A = arith.constant 0 : index
    %swap3A_23 = arith.constant 0 : index
    %swap3A_24 = vector.load %arg5[%swap3A, %swap3A_23] : memref<256x1024xf32, #tpu.memory_space<vmem>>, vector<256x1024xf32>
    tpu.vector_store %arg5[%swap3A, %swap3A_23], %div3A_22 {strides = array<i32>} : memref<256x1024xf32, #tpu.memory_space<vmem>>, vector<256x1024xf32>,
    return
  }
  func.func @transform_0(%arg0: i32) -> (i32, i32) {
    %c0_i32 = arith.constant 0 : i32
    %c0_i32_0 = arith.constant 0 : i32
    return %arg0, %c0_i32 : i32, i32
  }
  func.func @transform_1(%arg0: i32) -> (i32, i32) {
    %c0_i32 = arith.constant 0 : i32
    %c0_i32_0 = arith.constant 0 : i32
    return %arg0, %c0_i32 : i32, i32
  }
  func.func @transform_2(%arg0: i32) -> (i32, i32) {
    %add3A = arith.constant 8 : i32
    %add3A_0 = arith.addi %arg0, %add3A : i32
    %c0_i32 = arith.constant 0 : i32
    %c0_i32_1 = arith.constant 0 : i32
    return %add3A_0, %c0_i32 : i32, i32
  }
  func.func @transform_3(%arg0: i32) -> (i32, i32) {
    %c0_i32 = arith.constant 0 : i32
    %c0_i32_0 = arith.constant 0 : i32
    return %arg0, %c0_i32 : i32, i32
  }
  func.func @transform_4(%arg0: i32) -> (i32, i32) {
    %c0_i32 = arith.constant 0 : i32
    %c0_i32_0 = arith.constant 0 : i32
    return %arg0, %c0_i32 : i32, i32
  }
}

</mosaic_0001>

<sc_bundles>
// kernel: kernel.11.cloned.1.call-start
scs
__scs_entry_jumppad:
0x0: {  	(pc) =	sbr.rel $0x88, $3  }
0x1: {  	(tag) =	ssettag $0x0;
	lr =	simm.s32 $0x1  }
0x2: {  	[smem:$0x3F9B] =	sst lr;
	_ =	strace $0xD0000000  }
0x3: {  	_ = 	snop  }
0x4: {  	_ = 	snop  }
0x5: {  	_ = 	snop  }
0x6: {  	_ = 	snop  }
0x7: {  	_ = 	snop  }
__scs_overlays_trampoline_lowered:
0x8: {  	[smem:$0x3FAA] =	sst s0  }
0x9: {  	[smem:$0x3FAB] =	sst s1  }
0xa: {  	[smem:$0x3FAC] =	sst s2  }
0xb: {  	[smem:$0x3FAD] =	sst s3  }
0xc: {  	[smem:$0x3FAE] =	sst s4  }
0xd: {  	[smem:$0x3FAF] =	sst s5  }
0xe: {  	[smem:$0x3FB0] =	sst s6  }
0xf: {  	[smem:$0x3FB1] =	sst s7  }
0x10: {  	[smem:$0x3FB2] =	sst s8  }
0x11: {  	[smem:$0x3FB3] =	sst s9;
	s0 =	simm.s32 @!p0 $0x0  }
0x12: {  	s1 =	sld [smem:$0x3F99];
	s0 =	simm.s32 @p0 $0x1  }
0x13: {  	[smem:$0x3FB4] =	sst s0;
	s0 =	simm.s32 @!p1 $0x0  }
0x14: {  	s2 =	sld [smem:$0x3F98];
	s0 =	simm.s32 @p1 $0x1  }
0x15: {  	[smem:$0x3FB5] =	sst s0;
	s0 =	simm.s32 @!p2 $0x0  }
0x16: {  	s3 =	sld [smem:$0x3FDB];
	s0 =	simm.s32 @p2 $0x1  }
0x17: {  	s4 =	simm.s32 $0x1BF5;
	[smem:$0x3FB7] =	sst s0  }
0x18: {  	s0 =	sld [smem:$0x3F9A];
	_ =	swait.ge [sflag:s4], $0x0  }
0x19: {  	s7 =	sld [smem:$0x3F9B]  }
0x1a: {  	s8 =	sadd.s32 $0xFFFFE003, lr  }
0x1b: {  	s9 =	sadd.s32 $0xFFFFFEF7, lr;
	s5 =	simm.s32 $0xFFFFFFFF;
	p2 =	slt.u32 s8, $0xFFFFF086  }
0x1c: {  	p1 =	slt.u32 s9, $0xF7A;
	s5 =	simm.s32 @!p2 $0x0  }
0x1d: {  	s5 =	simm.s32 @p1 $0x1;
	p0 =	seq.s32 s7, s2  }
0x1e: {  	s7 =	smul.u32 @!p0 $0xF7A, s2;
	p2 =	seq.s32 @!p0 s5, $0x0  }
0x1f: {  	s9 =	smul.u32 $0xF7A, s1;
	s8 =	simm.s32 @!p0 $0x1BF5;
	p2 =	por !p2, p0  }
0x20: {  	[sflag:s8] =	ssyncset.s32 @!p0 $0xFFFFF086;
	s6 =	sadd.s32 @!p0 s3, s7;
	s7 =	simm.s32 @!p0 $0x108  }
0x21: {  	s3 =	sadd.s32 s3, s9;
	s6 =	sadd.s32 @!p0 $0x88, s6;
	s7 =	simm.s32 @p2 $0x1082  }
0x22: {  	[simem:s7], [sflag:s8] =	dma.local @!p0 [hbm:s6], $0xF7A  }
0x23: {  	s9 =	sor.u32 $0xD0000000, s2;
	s6 =	simm.s32 $0x108;
	_ =	swait.ge @!p0 [sflag:s8], $0x0  }
0x24: {  	s3 =	sadd.s32 $0x88, s3;
	s6 =	simm.s32 @!p1 $0x1082;
	[sflag:s4] =	ssyncset.s32 $0xFFFFF086  }
0x25: {  	[simem:s6], [sflag:s4] =	dma.local [hbm:s3], $0xF7A  }
0x26: {  	[smem:$0x3F9B] =	sst s1;
	(tag) =	ssettag s2;
	_ =	strace s9  }
0x27: {  	s1 =	sld [smem:$0x3FAB]  }
0x28: {  	s2 =	sld [smem:$0x3FAC]  }
0x29: {  	s4 =	sld [smem:$0x3FAE]  }
0x2a: {  	p0 =	seq.s32 s5, $0x0;
	s5 =	sld [smem:$0x3FAF]  }
0x2b: {  	s6 =	sld [smem:$0x3FB0]  }
0x2c: {  	s7 =	sld [smem:$0x3FB1]  }
0x2d: {  	s3 =	simm.s32 $0x108;
	s8 =	sld [smem:$0x3FB2]  }
0x2e: {  	s3 =	simm.s32 @!p0 $0x1082;
	s9 =	sld [smem:$0x3FB3]  }
0x2f: {  	lr =	sadd.s32 s0, s3;
	s0 =	sld [smem:$0x3FAA]  }
0x30: {  	s3 =	sld [smem:$0x3FAD]  }
0x31: {  	[smem:$0x3FB6] =	sst s10  }
0x32: {  	s10 =	sld [smem:$0x3FB4];
	_ =	sdelay $0x3  }
0x33: {  	p0 =	seq.s32 s10, $0x1;
	s10 =	sld [smem:$0x3FB6];
	_ =	sdelay $0x3  }
0x34: {  	[smem:$0x3FB6] =	sst s10  }
0x35: {  	s10 =	sld [smem:$0x3FB5];
	_ =	sdelay $0x3  }
0x36: {  	p1 =	seq.s32 s10, $0x1;
	s10 =	sld [smem:$0x3FB6];
	_ =	sdelay $0x3  }
0x37: {  	[smem:$0x3FB6] =	sst s10  }
0x38: {  	s10 =	sld [smem:$0x3FB7]  }
0x39: {  	_ = 	snop;
	(pc) =	sbr.ind lr, $3  }
0x3a: {  	_ = 	snop  }
0x3b: {  	_ = 	snop  }
0x3c: {  	p2 =	seq.s32 s10, $0x1;
	s10 =	sld [smem:$0x3FB6]  }
0x3d: {  	_ =	shalt  }
0x3e: {  	_ =	shalt  }
0x3f: {  	_ =	shalt  }
0x40: {  	_ =	shalt  }
0x41: {  	_ =	shalt  }
0x42: {  	_ =	shalt  }
0x43: {  	_ =	shalt  }
0x44: {  	_ =	shalt  }
0x45: {  	_ =	shalt  }
0x46: {  	_ =	shalt  }
0x47: {  	_ =	shalt  }
0x48: {  	_ =	shalt  }
0x49: {  	_ =	shalt  }
0x4a: {  	_ =	shalt  }
0x4b: {  	_ =	shalt  }
0x4c: {  	_ =	shalt  }
0x4d: {  	_ =	shalt  }
0x4e: {  	_ =	shalt  }
0x4f: {  	_ =	shalt  }
0x50: {  	_ =	shalt  }
0x51: {  	_ =	shalt  }
0x52: {  	_ =	shalt  }
0x53: {  	_ =	shalt  }
0x54: {  	_ =	shalt  }
0x55: {  	_ =	shalt  }
0x56: {  	_ =	shalt  }
0x57: {  	_ =	shalt  }
0x58: {  	_ =	shalt  }
0x59: {  	_ =	shalt  }
0x5a: {  	_ =	shalt  }
0x5b: {  	_ =	shalt  }
0x5c: {  	_ =	shalt  }
0x5d: {  	_ =	shalt  }
0x5e: {  	_ =	shalt  }
0x5f: {  	_ =	shalt  }
0x60: {  	_ =	shalt  }
0x61: {  	_ =	shalt  }
0x62: {  	_ =	shalt  }
0x63: {  	_ =	shalt  }
0x64: {  	_ =	shalt  }
0x65: {  	_ =	shalt  }
0x66: {  	_ =	shalt  }
0x67: {  	_ =	shalt  }
0x68: {  	_ =	shalt  }
0x69: {  	_ =	shalt  }
0x6a: {  	_ =	shalt  }
0x6b: {  	_ =	shalt  }
0x6c: {  	_ =	shalt  }
0x6d: {  	_ =	shalt  }
0x6e: {  	_ =	shalt  }
0x6f: {  	_ =	shalt  }
0x70: {  	_ =	shalt  }
0x71: {  	_ =	shalt  }
0x72: {  	_ =	shalt  }
0x73: {  	_ =	shalt  }
0x74: {  	_ =	shalt  }
0x75: {  	_ =	shalt  }
0x76: {  	_ =	shalt  }
0x77: {  	_ =	shalt  }
0x78: {  	_ =	shalt  }
0x79: {  	_ =	shalt  }
0x7a: {  	_ =	shalt  }
0x7b: {  	_ =	shalt  }
0x7c: {  	_ =	shalt  }
0x7d: {  	_ =	shalt  }
0x7e: {  	_ =	shalt  }
0x7f: {  	_ =	shalt  }
0x80: {  	_ =	shalt  }
0x81: {  	_ =	shalt  }
0x82: {  	_ =	shalt  }
0x83: {  	_ =	shalt  }
0x84: {  	_ =	shalt  }
0x85: {  	_ =	shalt  }
0x86: {  	_ =	shalt  }
0x87: {  	_ =	shalt  }
.Lfunc_end0:
.L_simem_size_0:
called_computation.1_lowered:
.L_overlay_start_0:
0x88: {  	s2 =	sld [smem:$0x3FD9]  }
0x89: {  	s3 =	sld [smem:$0x3FFE];
	_ =	sdelay $0x1  }
0x8a: {  	s1 =	srdreg.scid  }
0x8b: {  	s0 =	sand.u32 $0x1, s1  }
0x8c: {  	s16 =	sshll.u32 s0, $0xA;
	s2 =	sadd.s32 s3, s2  }
0x8d: {  	s2 =	sadd.s32 s2, s16  }
0x8e: {  	[smem:$0x3FC2] =	sst s2  }
0x8f: {  	_ = 	snop  }
0x90: {  	(tm) =	ssettm $0x1  }
0x91: {  	s17 =	sld [smem:$0x3FFB];
	_ =	sdelay $0x3  }
0x92: {  	_ =	strace s17  }
0x93: {  	s2 =	sld [smem:$0x3FFC];
	_ =	sdelay $0x3  }
0x94: {  	_ =	strace s2  }
0x95: {  	s2 =	sld [smem:$0x3FFD];
	_ =	sdelay $0x3  }
0x96: {  	_ =	strace s2  }
0x97: {  	_ =	strace $0x8FFFFFFF  }
0x98: {  	s18 =	sld [smem:$0x3FDB];
	_ =	sdelay $0x1  }
0x99: {  	s19 =	simm.s32 $_scs_section_size  }
0x9a: {  	s4 =	simm.s32 $_size__tile_overlayer_lowered;
	s5 =	simm.s32 $_tile_overlayer_lowered  }
0x9b: {  	s22 =	simm.s32 $0x1BFF;
	s21 =	sshll.u32 s5, $0x1;
	s2 =	sadd.s32 s19, s18  }
0x9c: {  	s6 =	simm.s32 $0x0;
	s20 =	sshll.u32 s4, $0x1;
	s4 =	sadd.s32 s21, s2  }
0x9d: {  	[timem:s6], [sflag:s22] =	dma.local [hbm:s4], s20  }
0x9e: {  	_ =	swait.ge [sflag:s22], s20  }
0x9f: {  	s3 =	ssub.s32 $0x0, s20;
	[sflag:s22] =	ssyncset.done $0x0  }
0xa0: {  	[sflag:s22] =	ssyncadd.s32 s3;
	_ =	sdelay $0x1  }
0xa1: {  	s23 =	simm.s32 $0x1B8B  }
0xa2: {  	_ =	swait.ge [sflag:s23], $0x1  }
0xa3: {  	[sflag:s23] =	ssyncset.done $0x0  }
0xa4: {  	s25 =	simm.s32 $0x1B8E;
	s24 =	sld [smem:$0x3FFE];
	[sflag:s23] =	ssyncadd.s32 $0xFFFFFFFF  }
0xa5: {  	s26 =	simm.s32 $execute0_lowered;
	[smem:$0x3FD2] =	sst s25  }
0xa6: {  	s4 =	sshll.u32 s26, $0x1;
	_ =	strace $0x80000049;
	[dreg:$0x1] =	wrdreg $0xFFFFFFFF  }
0xa7: {  	s28 =	simm.s32 $_size_execute0_lowered;
	s2 =	sadd.s32 s2, s4;
	[dreg:$0x0] =	wrdreg $0x0  }
0xa8: {  	s4 =	sshll.u32 s28, $0x1;
	[dreg:$0x2] =	wrdreg s2  }
0xa9: {  	[dreg:$0x3] =	wrdreg s4  }
0xaa: {  	[dreg:$0x4] =	wrdreg $0xC0  }
0xab: {  	_ =	task [dreg:s6], $0x5FFFF  }
0xac: {  	[dreg:$0x1] =	wrdreg $0xFFFFFFFF  }
0xad: {  	[dreg:$0x0] =	wrdreg $0x60  }
0xae: {  	[dreg:$0x2] =	wrdreg s24  }
0xaf: {  	[dreg:$0x3] =	wrdreg $0x9  }
0xb0: {  	_ =	task.clear_ibuf [dreg:s6], $0x4FFFF;
	_ =	strace $0x90000049  }
0xb1: {  	s29 =	simm.s32 $0x9;
	_ =	strace $0x8000004B  }
0xb2: {  	_ =	swait.ge [sflag:s29], $0x1  }
0xb3: {  	[sflag:s29] =	ssyncadd.s32 $0xFFFFFFFF  }
0xb4: {  	_ =	strace $0x9000004B  }
0xb5: {  	_ =	sfence  }
0xb6: {  	s30 =	sld [smem:$0x0];
	_ =	sdelay $0x2  }
0xb7: {  	s31 =	sshll.u32 s1, $0xD;
	s1 =	sshrl.u32 s1, $0x2  }
0xb8: {  	s3 =	sand.u32 $0x4000, s31;
	s1 =	sadd.s32 s1, s30  }
0xb9: {  	s0 =	sor.u32 s3, s0;
	s1 =	sshll.u32 s1, $0x11  }
0xba: {  	s0 =	sor.u32 s1, s0  }
0xbb: {  	s0 =	sadd.s32 $0x8F2B, s0  }
0xbc: {  	[sflag:s0] =	ssyncadd.remote.s32 $0x1  }
0xbd: {  	_ =	sfence.sel $0xFFFF  }
0xbe: {  	[dreg:$0x0] =	wrdreg $0xFFFFFFFF;
	(pc) =	sbr.abs _section_cstart, $3  }
0xbf: {  	[dreg:$0x1] =	wrdreg $0xFFFFFFFF  }
0xc0: {  	_ =	task.clear_ibuf [dreg:s6], $0x2FFFF;
	_ =	strace $0x9FFFFFFF  }
0xc1: {  	(tm) =	ssettm $0x7FFFFFFF  }
tec
execute0_lowered:
.L_overlay_start_1:
0x0: {  	(tag) =	ssettag $0x1  }
0x1: {  	s0 =	rddreg [dreg:$0x0];
	s1 =	srdreg.scid  }
0x2: {  	s2 =	simm.s32 $0x0;
	s4 =	stileid.u32;
	s18 =	simm.s32 $0x1  }
0x3: {  	s20 =	simm.s32 $0x880;
	s21 =	simm.s32 $0x1080;
	s22 =	simm.s32 $0x1880  }
0x4: {  	s23 =	simm.s32 $0x2080;
	s28 =	simm.s32 $0x4080;
	s29 =	simm.s32 $0x4880  }
0x5: {  	s30 =	simm.s32 $0x5080;
	s31 =	simm.s32 $0x5880;
	s11 =	simm.s32 $0x7880  }
0x6: {  	s12 =	simm.s32 $0x8080;
	s13 =	simm.s32 $0x8880;
	s14 =	simm.s32 $0x9080  }
0x7: {  	s15 =	simm.s32 $0x9880;
	s16 =	simm.s32 $0xA080;
	s17 =	simm.s32 $0xA880  }
0x8: {  	s1 =	sand.u32 $0x1, s1;
	[smem:$0x7FF] =	sst s2;
	s4 =	sshll.u32 s4, $0x7  }
0x9: {  	s6 =	sadd.s32 $0x100600, s0;
	s8 =	sadd.s32 $0x200, s0;
	s3 =	sshll.u32 s1, $0xB  }
0xa: {  	_ =	strace $0x8000004A;
	s1 =	ssub.s32 $0x2, s1;
	s5 =	sor.u32 s4, s3  }
0xb: {  	s3 =	sadd.s32 $0x100800, s0;
	s7 =	sshrl.u32 s1, $0x1;
	s4 =	sshrl.u32 s5, $0x3  }
0xc: {  	s1 =	ssub.s32 s1, s7;
	s24 =	sshll.u32 s5, $0x7;
	s9 =	sor.u32 $0x40, s5  }
0xd: {  	s5 =	sadd.s32 $0x100A00, s0;
	s4 =	sadd.s32 s6, s4;
	s7 =	sadd.s32 s8, s24  }
0xe: {  	s10 =	sshrl.u32 s9, $0x3;
	s9 =	sshll.u32 s9, $0x7;
	[dreg:$0x2] =	wrdreg s4  }
0xf: {  	s24 =	simm.s32 $0x2880;
	s4 =	sadd.s32 $0x100900, s0;
	[dreg:$0x3] =	wrdreg s7  }
0x10: {  	s25 =	sadd.s32 s6, s10;
	s6 =	sadd.s32 $0x100B00, s0;
	s26 =	sadd.s32 s8, s9  }
0x11: {  	v2 =	vlaneseq.u32;
	s7 =	smax.u32 s1, $0x1;
	s8 =	simm.s32 $0x2;
	s0 =	simm.s32 $0x80  }
0x12: {  	vm0 =	vmmov $0xffff;
	v1 =	vshrl.u32 v2, $0x3;
	s10 =	simm.s32 $0x7080;
	s9 =	simm.s32 $0xB080;
	[dreg:$0x4] =	wrdreg s25  }
0x13: {  	v0 =	vand.u32 $0x7, v2;
	v2 =	vor.u32 $0x8, v2;
	v1 =	vmul.u32 $0x8, v1;
	[dreg:$0x5] =	wrdreg s26;
	s25 =	simm.s32 $0x3080;
	s26 =	simm.s32 $0x3880  }
.LBB2_1:
0x14: {  	s19 =	rddreg [dreg:$0x2]  }
0x15: {  	[tilespmem:s2], [sflag:$0x2] =	stream.linear.gather [hbm4b:s19+s2], $0x40, $0x38;
	[tilespmem:$0x10080] =	vst v63  }
0x16: {  	_ =	swait.ge [sflag:s8], $0x40  }
0x17: {  	[sflag:s8] =	ssyncset.done $0x0  }
0x18: {  	[sflag:s8] =	ssyncadd.s32 $0xFFFFFFC0  }
0x19: {  	v3 =	vld [tilespmem:$0x0];
	_ =	sdelay $0x4  }
0x1a: {  	v4 =	vshll.u32 v3, $0x3  }
0x1b: {  	v3 =	vand.u32 $0x7, v3;
	v4 =	vand.u32 $0xFFFFFFC0, v4  }
0x1c: {  	v3 =	vor.u32 v3, v4  }
0x1d: {  	v4 =	vperm.xlane v3, v0;
	_ =	sdelay $0x1  }
0x1e: {  	v4 =	vadd.s32 v1, v4;
	_ =	sdelay $0x4  }
0x1f: {  	[tilespmem:s0], [sflag:$0x1] =	stream.indirect_vreg.gather [hbm4b:s3+s2], $0x80, v4, vm0, $0xb8;
	[tilespmem:$0x10080] =	vst v63  }
0x20: {  	v3 =	vperm.xlane v3, v2  }
0x21: {  	[tilespmem:s20], [sflag:$0x1] =	stream.indirect_vreg.gather [hbm4b:s4+s2], $0x80, v4, vm0, $0xb8;
	[tilespmem:$0x10080] =	vst v63  }
0x22: {  	v3 =	vadd.s32 v1, v3  }
0x23: {  	[tilespmem:s21], [sflag:$0x1] =	stream.indirect_vreg.gather [hbm4b:s5+s2], $0x80, v4, vm0, $0xb8;
	[tilespmem:$0x10080] =	vst v63  }
0x24: {  	_ = 	snop  }
0x25: {  	[tilespmem:s22], [sflag:$0x1] =	stream.indirect_vreg.gather [hbm4b:s6+s2], $0x80, v4, vm0, $0xb8;
	[tilespmem:$0x10080] =	vst v63  }
0x26: {  	_ = 	snop  }
0x27: {  	[tilespmem:s23], [sflag:$0x1] =	stream.indirect_vreg.gather [hbm4b:s3+s2], $0x80, v3, vm0, $0xb8;
	[tilespmem:$0x10080] =	vst v63  }
0x28: {  	_ = 	snop  }
0x29: {  	[tilespmem:s24], [sflag:$0x1] =	stream.indirect_vreg.gather [hbm4b:s4+s2], $0x80, v3, vm0, $0xb8;
	[tilespmem:$0x10080] =	vst v63  }
0x2a: {  	_ = 	snop  }
0x2b: {  	[tilespmem:s25], [sflag:$0x1] =	stream.indirect_vreg.gather [hbm4b:s5+s2], $0x80, v3, vm0, $0xb8;
	[tilespmem:$0x10080] =	vst v63  }
0x2c: {  	_ = 	snop  }
0x2d: {  	[tilespmem:s26], [sflag:$0x1] =	stream.indirect_vreg.gather [hbm4b:s6+s2], $0x80, v3, vm0, $0xb8;
	[tilespmem:$0x10080] =	vst v63  }
0x2e: {  	v3 =	vld [tilespmem:$0x10];
	_ =	sdelay $0x4  }
0x2f: {  	v57 =	vshll.u32 v3, $0x3  }
0x30: {  	v3 =	vand.u32 $0x7, v3;
	v4 =	vand.u32 $0xFFFFFFC0, v57  }
0x31: {  	v3 =	vor.u32 v3, v4  }
0x32: {  	v4 =	vperm.xlane v3, v0;
	_ =	sdelay $0x1  }
0x33: {  	v4 =	vadd.s32 v1, v4;
	_ =	sdelay $0x4  }
0x34: {  	[tilespmem:s28], [sflag:$0x1] =	stream.indirect_vreg.gather [hbm4b:s3+s2], $0x80, v4, vm0, $0xb8;
	[tilespmem:$0x10080] =	vst v63  }
0x35: {  	v3 =	vperm.xlane v3, v2  }
0x36: {  	[tilespmem:s29], [sflag:$0x1] =	stream.indirect_vreg.gather [hbm4b:s4+s2], $0x80, v4, vm0, $0xb8;
	[tilespmem:$0x10080] =	vst v63  }
0x37: {  	v3 =	vadd.s32 v1, v3  }
0x38: {  	[tilespmem:s30], [sflag:$0x1] =	stream.indirect_vreg.gather [hbm4b:s5+s2], $0x80, v4, vm0, $0xb8;
	[tilespmem:$0x10080] =	vst v63  }
0x39: {  	_ = 	snop  }
0x3a: {  	[tilespmem:s31], [sflag:$0x1] =	stream.indirect_vreg.gather [hbm4b:s6+s2], $0x80, v4, vm0, $0xb8;
	[tilespmem:$0x10080] =	vst v63  }
0x3b: {  	s1 =	simm.s32 $0x6080  }
0x3c: {  	[tilespmem:s1], [sflag:$0x1] =	stream.indirect_vreg.gather [hbm4b:s3+s2], $0x80, v3, vm0, $0xb8;
	[tilespmem:$0x10080] =	vst v63  }
0x3d: {  	s1 =	simm.s32 $0x6880  }
0x3e: {  	[tilespmem:s1], [sflag:$0x1] =	stream.indirect_vreg.gather [hbm4b:s4+s2], $0x80, v3, vm0, $0xb8;
	[tilespmem:$0x10080] =	vst v63  }
0x3f: {  	_ = 	snop  }
0x40: {  	[tilespmem:s10], [sflag:$0x1] =	stream.indirect_vreg.gather [hbm4b:s5+s2], $0x80, v3, vm0, $0xb8;
	[tilespmem:$0x10080] =	vst v63  }
0x41: {  	_ = 	snop  }
0x42: {  	[tilespmem:s11], [sflag:$0x1] =	stream.indirect_vreg.gather [hbm4b:s6+s2], $0x80, v3, vm0, $0xb8;
	[tilespmem:$0x10080] =	vst v63  }
0x43: {  	v3 =	vld [tilespmem:$0x20];
	_ =	sdelay $0x4  }
0x44: {  	v58 =	vshll.u32 v3, $0x3  }
0x45: {  	v3 =	vand.u32 $0x7, v3;
	v4 =	vand.u32 $0xFFFFFFC0, v58  }
0x46: {  	v3 =	vor.u32 v3, v4  }
0x47: {  	v4 =	vperm.xlane v3, v0;
	_ =	sdelay $0x1  }
0x48: {  	v4 =	vadd.s32 v1, v4;
	_ =	sdelay $0x4  }
0x49: {  	[tilespmem:s12], [sflag:$0x1] =	stream.indirect_vreg.gather [hbm4b:s3+s2], $0x80, v4, vm0, $0xb8;
	[tilespmem:$0x10080] =	vst v63  }
0x4a: {  	v3 =	vperm.xlane v3, v2  }
0x4b: {  	[tilespmem:s13], [sflag:$0x1] =	stream.indirect_vreg.gather [hbm4b:s4+s2], $0x80, v4, vm0, $0xb8;
	[tilespmem:$0x10080] =	vst v63  }
0x4c: {  	v3 =	vadd.s32 v1, v3  }
0x4d: {  	[tilespmem:s14], [sflag:$0x1] =	stream.indirect_vreg.gather [hbm4b:s5+s2], $0x80, v4, vm0, $0xb8;
	[tilespmem:$0x10080] =	vst v63  }
0x4e: {  	_ = 	snop  }
0x4f: {  	[tilespmem:s15], [sflag:$0x1] =	stream.indirect_vreg.gather [hbm4b:s6+s2], $0x80, v4, vm0, $0xb8;
	[tilespmem:$0x10080] =	vst v63  }
0x50: {  	_ = 	snop  }
0x51: {  	[tilespmem:s16], [sflag:$0x1] =	stream.indirect_vreg.gather [hbm4b:s3+s2], $0x80, v3, vm0, $0xb8;
	[tilespmem:$0x10080] =	vst v63  }
0x52: {  	_ = 	snop  }
0x53: {  	[tilespmem:s17], [sflag:$0x1] =	stream.indirect_vreg.gather [hbm4b:s4+s2], $0x80, v3, vm0, $0xb8;
	[tilespmem:$0x10080] =	vst v63  }
0x54: {  	_ = 	snop  }
0x55: {  	[tilespmem:s9], [sflag:$0x1] =	stream.indirect_vreg.gather [hbm4b:s5+s2], $0x80, v3, vm0, $0xb8;
	[tilespmem:$0x10080] =	vst v63  }
0x56: {  	s19 =	simm.s32 $0xB880  }
0x57: {  	[tilespmem:s19], [sflag:$0x1] =	stream.indirect_vreg.gather [hbm4b:s6+s2], $0x80, v3, vm0, $0xb8;
	[tilespmem:$0x10080] =	vst v63  }
0x58: {  	v3 =	vld [tilespmem:$0x30];
	_ =	sdelay $0x4  }
0x59: {  	v59 =	vshll.u32 v3, $0x3  }
0x5a: {  	v3 =	vand.u32 $0x7, v3;
	v4 =	vand.u32 $0xFFFFFFC0, v59  }
0x5b: {  	v3 =	vor.u32 v3, v4  }
0x5c: {  	v4 =	vperm.xlane v3, v0;
	_ =	sdelay $0x1  }
0x5d: {  	v4 =	vadd.s32 v1, v4;
	_ =	sdelay $0x3  }
0x5e: {  	s19 =	simm.s32 $0xC080  }
0x5f: {  	[tilespmem:s19], [sflag:$0x1] =	stream.indirect_vreg.gather [hbm4b:s3+s2], $0x80, v4, vm0, $0xb8;
	[tilespmem:$0x10080] =	vst v63  }
0x60: {  	v3 =	vperm.xlane v3, v2;
	s19 =	simm.s32 $0xC880  }
0x61: {  	[tilespmem:s19], [sflag:$0x1] =	stream.indirect_vreg.gather [hbm4b:s4+s2], $0x80, v4, vm0, $0xb8;
	[tilespmem:$0x10080] =	vst v63  }
0x62: {  	v3 =	vadd.s32 v1, v3;
	s19 =	simm.s32 $0xD080  }
0x63: {  	[tilespmem:s19], [sflag:$0x1] =	stream.indirect_vreg.gather [hbm4b:s5+s2], $0x80, v4, vm0, $0xb8;
	[tilespmem:$0x10080] =	vst v63  }
0x64: {  	s19 =	simm.s32 $0xD880  }
0x65: {  	[tilespmem:s19], [sflag:$0x1] =	stream.indirect_vreg.gather [hbm4b:s6+s2], $0x80, v4, vm0, $0xb8;
	[tilespmem:$0x10080] =	vst v63  }
0x66: {  	s19 =	simm.s32 $0xE080  }
0x67: {  	[tilespmem:s19], [sflag:$0x1] =	stream.indirect_vreg.gather [hbm4b:s3+s2], $0x80, v3, vm0, $0xb8;
	[tilespmem:$0x10080] =	vst v63  }
0x68: {  	s19 =	simm.s32 $0xE880  }
0x69: {  	[tilespmem:s19], [sflag:$0x1] =	stream.indirect_vreg.gather [hbm4b:s4+s2], $0x80, v3, vm0, $0xb8;
	[tilespmem:$0x10080] =	vst v63  }
0x6a: {  	s19 =	simm.s32 $0xF080  }
0x6b: {  	[tilespmem:s19], [sflag:$0x1] =	stream.indirect_vreg.gather [hbm4b:s5+s2], $0x80, v3, vm0, $0xb8;
	[tilespmem:$0x10080] =	vst v63  }
0x6c: {  	s19 =	simm.s32 $0xF880  }
0x6d: {  	[tilespmem:s19], [sflag:$0x1] =	stream.indirect_vreg.gather [hbm4b:s6+s2], $0x80, v3, vm0, $0xb8;
	[tilespmem:$0x10080] =	vst v63  }
0x6e: {  	_ =	swait.ge [sflag:s18], $0x10000  }
0x6f: {  	[sflag:s18] =	ssyncset.done $0x0  }
0x70: {  	s19 =	rddreg [dreg:$0x3];
	[sflag:s18] =	ssyncadd.s32 $0xFFFF0000  }
0x71: {  	[hbm4b:s19+s2] =	stream.linear.scatter [tilespmem:s0], [sflag:$0x2], $0x10000, $0x38;
	[tilespmem:$0x10080] =	vst v63  }
0x72: {  	_ =	swait.ge [sflag:s8], $0x10000  }
0x73: {  	[sflag:s8] =	ssyncset.done $0x0  }
0x74: {  	s19 =	rddreg [dreg:$0x4];
	[sflag:s8] =	ssyncadd.s32 $0xFFFF0000  }
0x75: {  	[tilespmem:s2], [sflag:$0x2] =	stream.linear.gather [hbm4b:s19+s2], $0x40, $0x38;
	[tilespmem:$0x10080] =	vst v63  }
0x76: {  	_ =	swait.ge [sflag:s8], $0x40  }
0x77: {  	[sflag:s8] =	ssyncset.done $0x0  }
0x78: {  	[sflag:s8] =	ssyncadd.s32 $0xFFFFFFC0  }
0x79: {  	v3 =	vld [tilespmem:$0x0];
	_ =	sdelay $0x4  }
0x7a: {  	v60 =	vshll.u32 v3, $0x3  }
0x7b: {  	v3 =	vand.u32 $0x7, v3;
	v4 =	vand.u32 $0xFFFFFFC0, v60  }
0x7c: {  	v3 =	vor.u32 v3, v4  }
0x7d: {  	v4 =	vperm.xlane v3, v0;
	_ =	sdelay $0x1  }
0x7e: {  	v4 =	vadd.s32 v1, v4;
	_ =	sdelay $0x4  }
0x7f: {  	[tilespmem:s0], [sflag:$0x1] =	stream.indirect_vreg.gather [hbm4b:s3+s2], $0x80, v4, vm0, $0xb8;
	[tilespmem:$0x10080] =	vst v63  }
0x80: {  	v3 =	vperm.xlane v3, v2  }
0x81: {  	[tilespmem:s20], [sflag:$0x1] =	stream.indirect_vreg.gather [hbm4b:s4+s2], $0x80, v4, vm0, $0xb8;
	[tilespmem:$0x10080] =	vst v63  }
0x82: {  	v3 =	vadd.s32 v1, v3  }
0x83: {  	[tilespmem:s21], [sflag:$0x1] =	stream.indirect_vreg.gather [hbm4b:s5+s2], $0x80, v4, vm0, $0xb8;
	[tilespmem:$0x10080] =	vst v63  }
0x84: {  	_ = 	snop  }
0x85: {  	[tilespmem:s22], [sflag:$0x1] =	stream.indirect_vreg.gather [hbm4b:s6+s2], $0x80, v4, vm0, $0xb8;
	[tilespmem:$0x10080] =	vst v63  }
0x86: {  	_ = 	snop  }
0x87: {  	[tilespmem:s23], [sflag:$0x1] =	stream.indirect_vreg.gather [hbm4b:s3+s2], $0x80, v3, vm0, $0xb8;
	[tilespmem:$0x10080] =	vst v63  }
0x88: {  	_ = 	snop  }
0x89: {  	[tilespmem:s24], [sflag:$0x1] =	stream.indirect_vreg.gather [hbm4b:s4+s2], $0x80, v3, vm0, $0xb8;
	[tilespmem:$0x10080] =	vst v63  }
0x8a: {  	_ = 	snop  }
0x8b: {  	[tilespmem:s25], [sflag:$0x1] =	stream.indirect_vreg.gather [hbm4b:s5+s2], $0x80, v3, vm0, $0xb8;
	[tilespmem:$0x10080] =	vst v63  }
0x8c: {  	_ = 	snop  }
0x8d: {  	[tilespmem:s26], [sflag:$0x1] =	stream.indirect_vreg.gather [hbm4b:s6+s2], $0x80, v3, vm0, $0xb8;
	[tilespmem:$0x10080] =	vst v63  }
0x8e: {  	v3 =	vld [tilespmem:$0x10];
	_ =	sdelay $0x4  }
0x8f: {  	v61 =	vshll.u32 v3, $0x3  }
0x90: {  	v3 =	vand.u32 $0x7, v3;
	v4 =	vand.u32 $0xFFFFFFC0, v61  }
0x91: {  	v3 =	vor.u32 v3, v4  }
0x92: {  	v4 =	vperm.xlane v3, v0;
	_ =	sdelay $0x1  }
0x93: {  	v4 =	vadd.s32 v1, v4;
	_ =	sdelay $0x4  }
0x94: {  	[tilespmem:s28], [sflag:$0x1] =	stream.indirect_vreg.gather [hbm4b:s3+s2], $0x80, v4, vm0, $0xb8;
	[tilespmem:$0x10080] =	vst v63  }
0x95: {  	v3 =	vperm.xlane v3, v2  }
0x96: {  	[tilespmem:s29], [sflag:$0x1] =	stream.indirect_vreg.gather [hbm4b:s4+s2], $0x80, v4, vm0, $0xb8;
	[tilespmem:$0x10080] =	vst v63  }
0x97: {  	v3 =	vadd.s32 v1, v3  }
0x98: {  	[tilespmem:s30], [sflag:$0x1] =	stream.indirect_vreg.gather [hbm4b:s5+s2], $0x80, v4, vm0, $0xb8;
	[tilespmem:$0x10080] =	vst v63  }
0x99: {  	_ = 	snop  }
0x9a: {  	[tilespmem:s31], [sflag:$0x1] =	stream.indirect_vreg.gather [hbm4b:s6+s2], $0x80, v4, vm0, $0xb8;
	[tilespmem:$0x10080] =	vst v63  }
0x9b: {  	s19 =	simm.s32 $0x6080  }
0x9c: {  	[tilespmem:s19], [sflag:$0x1] =	stream.indirect_vreg.gather [hbm4b:s3+s2], $0x80, v3, vm0, $0xb8;
	[tilespmem:$0x10080] =	vst v63  }
0x9d: {  	_ = 	snop  }
0x9e: {  	[tilespmem:s1], [sflag:$0x1] =	stream.indirect_vreg.gather [hbm4b:s4+s2], $0x80, v3, vm0, $0xb8;
	[tilespmem:$0x10080] =	vst v63  }
0x9f: {  	_ = 	snop  }
0xa0: {  	[tilespmem:s10], [sflag:$0x1] =	stream.indirect_vreg.gather [hbm4b:s5+s2], $0x80, v3, vm0, $0xb8;
	[tilespmem:$0x10080] =	vst v63  }
0xa1: {  	_ = 	snop  }
0xa2: {  	[tilespmem:s11], [sflag:$0x1] =	stream.indirect_vreg.gather [hbm4b:s6+s2], $0x80, v3, vm0, $0xb8;
	[tilespmem:$0x10080] =	vst v63  }
0xa3: {  	v3 =	vld [tilespmem:$0x20];
	_ =	sdelay $0x4  }
0xa4: {  	v62 =	vshll.u32 v3, $0x3  }
0xa5: {  	v3 =	vand.u32 $0x7, v3;
	v4 =	vand.u32 $0xFFFFFFC0, v62  }
0xa6: {  	v3 =	vor.u32 v3, v4  }
0xa7: {  	v4 =	vperm.xlane v3, v0;
	_ =	sdelay $0x1  }
0xa8: {  	v4 =	vadd.s32 v1, v4;
	_ =	sdelay $0x4  }
0xa9: {  	[tilespmem:s12], [sflag:$0x1] =	stream.indirect_vreg.gather [hbm4b:s3+s2], $0x80, v4, vm0, $0xb8;
	[tilespmem:$0x10080] =	vst v63  }
0xaa: {  	v3 =	vperm.xlane v3, v2  }
0xab: {  	[tilespmem:s13], [sflag:$0x1] =	stream.indirect_vreg.gather [hbm4b:s4+s2], $0x80, v4, vm0, $0xb8;
	[tilespmem:$0x10080] =	vst v63  }
0xac: {  	v3 =	vadd.s32 v1, v3  }
0xad: {  	[tilespmem:s14], [sflag:$0x1] =	stream.indirect_vreg.gather [hbm4b:s5+s2], $0x80, v4, vm0, $0xb8;
	[tilespmem:$0x10080] =	vst v63  }
0xae: {  	_ = 	snop  }
0xaf: {  	[tilespmem:s15], [sflag:$0x1] =	stream.indirect_vreg.gather [hbm4b:s6+s2], $0x80, v4, vm0, $0xb8;
	[tilespmem:$0x10080] =	vst v63  }
0xb0: {  	_ = 	snop  }
0xb1: {  	[tilespmem:s16], [sflag:$0x1] =	stream.indirect_vreg.gather [hbm4b:s3+s2], $0x80, v3, vm0, $0xb8;
	[tilespmem:$0x10080] =	vst v63  }
0xb2: {  	_ = 	snop  }
0xb3: {  	[tilespmem:s17], [sflag:$0x1] =	stream.indirect_vreg.gather [hbm4b:s4+s2], $0x80, v3, vm0, $0xb8;
	[tilespmem:$0x10080] =	vst v63  }
0xb4: {  	_ = 	snop  }
0xb5: {  	[tilespmem:s9], [sflag:$0x1] =	stream.indirect_vreg.gather [hbm4b:s5+s2], $0x80, v3, vm0, $0xb8;
	[tilespmem:$0x10080] =	vst v63  }
0xb6: {  	s19 =	simm.s32 $0xB880  }
0xb7: {  	[tilespmem:s19], [sflag:$0x1] =	stream.indirect_vreg.gather [hbm4b:s6+s2], $0x80, v3, vm0, $0xb8;
	[tilespmem:$0x10080] =	vst v63  }
0xb8: {  	v3 =	vld [tilespmem:$0x30];
	_ =	sdelay $0x4  }
0xb9: {  	v63 =	vshll.u32 v3, $0x3  }
0xba: {  	v3 =	vand.u32 $0x7, v3;
	v4 =	vand.u32 $0xFFFFFFC0, v63  }
0xbb: {  	v3 =	vor.u32 v3, v4  }
0xbc: {  	v4 =	vperm.xlane v3, v0;
	_ =	sdelay $0x1  }
0xbd: {  	v4 =	vadd.s32 v1, v4;
	_ =	sdelay $0x3  }
0xbe: {  	s19 =	simm.s32 $0xC080  }
0xbf: {  	[tilespmem:s19], [sflag:$0x1] =	stream.indirect_vreg.gather [hbm4b:s3+s2], $0x80, v4, vm0, $0xb8;
	[tilespmem:$0x10080] =	vst v63  }
0xc0: {  	v3 =	vperm.xlane v3, v2;
	s19 =	simm.s32 $0xC880  }
0xc1: {  	[tilespmem:s19], [sflag:$0x1] =	stream.indirect_vreg.gather [hbm4b:s4+s2], $0x80, v4, vm0, $0xb8;
	[tilespmem:$0x10080] =	vst v63  }
0xc2: {  	v3 =	vadd.s32 v1, v3;
	s19 =	simm.s32 $0xD080  }
0xc3: {  	[tilespmem:s19], [sflag:$0x1] =	stream.indirect_vreg.gather [hbm4b:s5+s2], $0x80, v4, vm0, $0xb8;
	[tilespmem:$0x10080] =	vst v63  }
0xc4: {  	s19 =	simm.s32 $0xD880  }
0xc5: {  	[tilespmem:s19], [sflag:$0x1] =	stream.indirect_vreg.gather [hbm4b:s6+s2], $0x80, v4, vm0, $0xb8;
	[tilespmem:$0x10080] =	vst v63  }
0xc6: {  	s19 =	simm.s32 $0xE080  }
0xc7: {  	[tilespmem:s19], [sflag:$0x1] =	stream.indirect_vreg.gather [hbm4b:s3+s2], $0x80, v3, vm0, $0xb8;
	[tilespmem:$0x10080] =	vst v63  }
0xc8: {  	s19 =	simm.s32 $0xE880  }
0xc9: {  	[tilespmem:s19], [sflag:$0x1] =	stream.indirect_vreg.gather [hbm4b:s4+s2], $0x80, v3, vm0, $0xb8;
	[tilespmem:$0x10080] =	vst v63  }
0xca: {  	s19 =	simm.s32 $0xF080  }
0xcb: {  	[tilespmem:s19], [sflag:$0x1] =	stream.indirect_vreg.gather [hbm4b:s5+s2], $0x80, v3, vm0, $0xb8;
	[tilespmem:$0x10080] =	vst v63  }
0xcc: {  	s19 =	simm.s32 $0xF880  }
0xcd: {  	[tilespmem:s19], [sflag:$0x1] =	stream.indirect_vreg.gather [hbm4b:s6+s2], $0x80, v3, vm0, $0xb8;
	[tilespmem:$0x10080] =	vst v63  }
0xce: {  	_ =	swait.ge [sflag:s18], $0x10000  }
0xcf: {  	p0 =	sne.s32 s7, $0x1;
	[sflag:s18] =	ssyncset.done $0x0  }
.Ltmp0:
0xd0: {  	s1 =	rddreg [dreg:$0x5];
	[sflag:s18] =	ssyncadd.s32 $0xFFFF0000;
	(pc) =	sbr.rel @p0 .LBB2_1-.Ltmp0, $4  }
0xd1: {  	[hbm4b:s1+s2] =	stream.linear.scatter [tilespmem:s0], [sflag:$0x2], $0x10000, $0x38;
	[tilespmem:$0x10080] =	vst v63  }
0xd2: {  	_ =	swait.ge [sflag:s8], $0x10000  }
0xd3: {  	[sflag:s8] =	ssyncset.done $0x0  }
0xd4: {  	s7 =	sadd.s32 $0xFFFFFFFF, s7;
	[sflag:s8] =	ssyncadd.s32 $0xFFFF0000  }
0xd5: {  	_ =	sfence.sel $0x180000  }
0xd6: {  	[bflag:$0x0] =	sbarrier.arrive $0xFFFF  }
0xd7: {  	_ =	strace $0x9000004A  }
0xd8: {  	s0 =	stileid.u32;
	[bflag:$0x2] =	sbarrier.arrive $0xFFFF  }
0xd9: {  	p0 =	sne.s32 s0, $0x0;
	s0 =	rddreg [dreg:$0x1]  }
0xda: {  	s0 =	sadd.s32 @!p0 $0x100000, s0  }
0xdb: {  	[sflag:s0] =	ssyncadd.tile.s32 @!p0 $0x1;
	_ =	shalt  }
.Lfunc_end2:
_tile_overlayer_lowered:
.L_overlay_start_2:
0xdc: {  	(tag) =	ssettag $0x2  }
0xdd: {  	s0 =	rddreg [dreg:$0x0];
	s2 =	stileid.u32  }
0xde: {  	s1 =	rddreg [dreg:$0x1];
	p0 =	sne.s32 s2, $0x0  }
0xdf: {  	s3 =	rddreg [dreg:$0x2];
	[bflag:$0x3] =	sbarrier.arrive $0xFFFF;
	s2 =	simm.s32 @!p0 $0x1C02  }
0xe0: {  	[timem:s3], [sflag:s2] =	dma.local @!p0 [hbm:s0], s1  }
0xe1: {  	s0 =	simm.s32 @!p0 $0x2  }
0xe2: {  	_ =	swait.ge @!p0 [sflag:s0], s1  }
0xe3: {  	s1 =	ssub.s32 @!p0 $0x0, s1;
	[sflag:s0] =	ssyncset.done @!p0 $0x0  }
0xe4: {  	[sflag:s0] =	ssyncadd.s32 @!p0 s1  }
0xe5: {  	[bflag:$0x3] =	sbarrier.arrive $0xFFFF  }
0xe6: {  	_ =	shalt  }

// kernel: kernel.8.cloned.1.call-start
scs
__scs_entry_jumppad:
0x0: {  	(pc) =	sbr.rel $0x88, $3  }
0x1: {  	(tag) =	ssettag $0x0;
	lr =	simm.s32 $0x1  }
0x2: {  	[smem:$0x3F9B] =	sst lr;
	_ =	strace $0xD0000000  }
0x3: {  	_ = 	snop  }
0x4: {  	_ = 	snop  }
0x5: {  	_ = 	snop  }
0x6: {  	_ = 	snop  }
0x7: {  	_ = 	snop  }
__scs_overlays_trampoline_lowered:
0x8: {  	[smem:$0x3FAA] =	sst s0  }
0x9: {  	[smem:$0x3FAB] =	sst s1  }
0xa: {  	[smem:$0x3FAC] =	sst s2  }
0xb: {  	[smem:$0x3FAD] =	sst s3  }
0xc: {  	[smem:$0x3FAE] =	sst s4  }
0xd: {  	[smem:$0x3FAF] =	sst s5  }
0xe: {  	[smem:$0x3FB0] =	sst s6  }
0xf: {  	[smem:$0x3FB1] =	sst s7  }
0x10: {  	[smem:$0x3FB2] =	sst s8  }
0x11: {  	[smem:$0x3FB3] =	sst s9;
	s0 =	simm.s32 @!p0 $0x0  }
0x12: {  	s1 =	sld [smem:$0x3F99];
	s0 =	simm.s32 @p0 $0x1  }
0x13: {  	[smem:$0x3FB4] =	sst s0;
	s0 =	simm.s32 @!p1 $0x0  }
0x14: {  	s2 =	sld [smem:$0x3F98];
	s0 =	simm.s32 @p1 $0x1  }
0x15: {  	[smem:$0x3FB5] =	sst s0;
	s0 =	simm.s32 @!p2 $0x0  }
0x16: {  	s3 =	sld [smem:$0x3FDB];
	s0 =	simm.s32 @p2 $0x1  }
0x17: {  	s4 =	simm.s32 $0x1BF5;
	[smem:$0x3FB7] =	sst s0  }
0x18: {  	s0 =	sld [smem:$0x3F9A];
	_ =	swait.ge [sflag:s4], $0x0  }
0x19: {  	s7 =	sld [smem:$0x3F9B]  }
0x1a: {  	s8 =	sadd.s32 $0xFFFFE003, lr  }
0x1b: {  	s9 =	sadd.s32 $0xFFFFFEF7, lr;
	s5 =	simm.s32 $0xFFFFFFFF;
	p2 =	slt.u32 s8, $0xFFFFF086  }
0x1c: {  	p1 =	slt.u32 s9, $0xF7A;
	s5 =	simm.s32 @!p2 $0x0  }
0x1d: {  	s5 =	simm.s32 @p1 $0x1;
	p0 =	seq.s32 s7, s2  }
0x1e: {  	s7 =	smul.u32 @!p0 $0xF7A, s2;
	p2 =	seq.s32 @!p0 s5, $0x0  }
0x1f: {  	s9 =	smul.u32 $0xF7A, s1;
	s8 =	simm.s32 @!p0 $0x1BF5;
	p2 =	por !p2, p0  }
0x20: {  	[sflag:s8] =	ssyncset.s32 @!p0 $0xFFFFF086;
	s6 =	sadd.s32 @!p0 s3, s7;
	s7 =	simm.s32 @!p0 $0x108  }
0x21: {  	s3 =	sadd.s32 s3, s9;
	s6 =	sadd.s32 @!p0 $0x88, s6;
	s7 =	simm.s32 @p2 $0x1082  }
0x22: {  	[simem:s7], [sflag:s8] =	dma.local @!p0 [hbm:s6], $0xF7A  }
0x23: {  	s9 =	sor.u32 $0xD0000000, s2;
	s6 =	simm.s32 $0x108;
	_ =	swait.ge @!p0 [sflag:s8], $0x0  }
0x24: {  	s3 =	sadd.s32 $0x88, s3;
	s6 =	simm.s32 @!p1 $0x1082;
	[sflag:s4] =	ssyncset.s32 $0xFFFFF086  }
0x25: {  	[simem:s6], [sflag:s4] =	dma.local [hbm:s3], $0xF7A  }
0x26: {  	[smem:$0x3F9B] =	sst s1;
	(tag) =	ssettag s2;
	_ =	strace s9  }
0x27: {  	s1 =	sld [smem:$0x3FAB]  }
0x28: {  	s2 =	sld [smem:$0x3FAC]  }
0x29: {  	s4 =	sld [smem:$0x3FAE]  }
0x2a: {  	p0 =	seq.s32 s5, $0x0;
	s5 =	sld [smem:$0x3FAF]  }
0x2b: {  	s6 =	sld [smem:$0x3FB0]  }
0x2c: {  	s7 =	sld [smem:$0x3FB1]  }
0x2d: {  	s3 =	simm.s32 $0x108;
	s8 =	sld [smem:$0x3FB2]  }
0x2e: {  	s3 =	simm.s32 @!p0 $0x1082;
	s9 =	sld [smem:$0x3FB3]  }
0x2f: {  	lr =	sadd.s32 s0, s3;
	s0 =	sld [smem:$0x3FAA]  }
0x30: {  	s3 =	sld [smem:$0x3FAD]  }
0x31: {  	[smem:$0x3FB6] =	sst s10  }
0x32: {  	s10 =	sld [smem:$0x3FB4];
	_ =	sdelay $0x3  }
0x33: {  	p0 =	seq.s32 s10, $0x1;
	s10 =	sld [smem:$0x3FB6];
	_ =	sdelay $0x3  }
0x34: {  	[smem:$0x3FB6] =	sst s10  }
0x35: {  	s10 =	sld [smem:$0x3FB5];
	_ =	sdelay $0x3  }
0x36: {  	p1 =	seq.s32 s10, $0x1;
	s10 =	sld [smem:$0x3FB6];
	_ =	sdelay $0x3  }
0x37: {  	[smem:$0x3FB6] =	sst s10  }
0x38: {  	s10 =	sld [smem:$0x3FB7]  }
0x39: {  	_ = 	snop;
	(pc) =	sbr.ind lr, $3  }
0x3a: {  	_ = 	snop  }
0x3b: {  	_ = 	snop  }
0x3c: {  	p2 =	seq.s32 s10, $0x1;
	s10 =	sld [smem:$0x3FB6]  }
0x3d: {  	_ =	shalt  }
0x3e: {  	_ =	shalt  }
0x3f: {  	_ =	shalt  }
0x40: {  	_ =	shalt  }
0x41: {  	_ =	shalt  }
0x42: {  	_ =	shalt  }
0x43: {  	_ =	shalt  }
0x44: {  	_ =	shalt  }
0x45: {  	_ =	shalt  }
0x46: {  	_ =	shalt  }
0x47: {  	_ =	shalt  }
0x48: {  	_ =	shalt  }
0x49: {  	_ =	shalt  }
0x4a: {  	_ =	shalt  }
0x4b: {  	_ =	shalt  }
0x4c: {  	_ =	shalt  }
0x4d: {  	_ =	shalt  }
0x4e: {  	_ =	shalt  }
0x4f: {  	_ =	shalt  }
0x50: {  	_ =	shalt  }
0x51: {  	_ =	shalt  }
0x52: {  	_ =	shalt  }
0x53: {  	_ =	shalt  }
0x54: {  	_ =	shalt  }
0x55: {  	_ =	shalt  }
0x56: {  	_ =	shalt  }
0x57: {  	_ =	shalt  }
0x58: {  	_ =	shalt  }
0x59: {  	_ =	shalt  }
0x5a: {  	_ =	shalt  }
0x5b: {  	_ =	shalt  }
0x5c: {  	_ =	shalt  }
0x5d: {  	_ =	shalt  }
0x5e: {  	_ =	shalt  }
0x5f: {  	_ =	shalt  }
0x60: {  	_ =	shalt  }
0x61: {  	_ =	shalt  }
0x62: {  	_ =	shalt  }
0x63: {  	_ =	shalt  }
0x64: {  	_ =	shalt  }
0x65: {  	_ =	shalt  }
0x66: {  	_ =	shalt  }
0x67: {  	_ =	shalt  }
0x68: {  	_ =	shalt  }
0x69: {  	_ =	shalt  }
0x6a: {  	_ =	shalt  }
0x6b: {  	_ =	shalt  }
0x6c: {  	_ =	shalt  }
0x6d: {  	_ =	shalt  }
0x6e: {  	_ =	shalt  }
0x6f: {  	_ =	shalt  }
0x70: {  	_ =	shalt  }
0x71: {  	_ =	shalt  }
0x72: {  	_ =	shalt  }
0x73: {  	_ =	shalt  }
0x74: {  	_ =	shalt  }
0x75: {  	_ =	shalt  }
0x76: {  	_ =	shalt  }
0x77: {  	_ =	shalt  }
0x78: {  	_ =	shalt  }
0x79: {  	_ =	shalt  }
0x7a: {  	_ =	shalt  }
0x7b: {  	_ =	shalt  }
0x7c: {  	_ =	shalt  }
0x7d: {  	_ =	shalt  }
0x7e: {  	_ =	shalt  }
0x7f: {  	_ =	shalt  }
0x80: {  	_ =	shalt  }
0x81: {  	_ =	shalt  }
0x82: {  	_ =	shalt  }
0x83: {  	_ =	shalt  }
0x84: {  	_ =	shalt  }
0x85: {  	_ =	shalt  }
0x86: {  	_ =	shalt  }
0x87: {  	_ =	shalt  }
.Lfunc_end0:
.L_simem_size_0:
called_computation_lowered:
.L_overlay_start_0:
0x88: {  	s2 =	sld [smem:$0x3FD9]  }
0x89: {  	s3 =	sld [smem:$0x3FFE];
	_ =	sdelay $0x1  }
0x8a: {  	s1 =	srdreg.scid  }
0x8b: {  	s0 =	sand.u32 $0x1, s1  }
0x8c: {  	s17 =	sshll.u32 s0, $0xA;
	s2 =	sadd.s32 s3, s2  }
0x8d: {  	s2 =	sadd.s32 s2, s17  }
0x8e: {  	[smem:$0x3FC2] =	sst s2  }
0x8f: {  	_ = 	snop  }
0x90: {  	s2 =	sld [smem:$0x3FC9];
	(tm) =	ssettm $0x1  }
0x91: {  	s18 =	sld [smem:$0x3FFB];
	_ =	sdelay $0x3  }
0x92: {  	_ =	strace s18  }
0x93: {  	s3 =	sld [smem:$0x3FFC];
	_ =	sdelay $0x3  }
0x94: {  	_ =	strace s3  }
0x95: {  	s3 =	sld [smem:$0x3FFD];
	_ =	sdelay $0x3  }
0x96: {  	_ =	strace s3  }
0x97: {  	_ =	strace $0x8FFFFFFF  }
0x98: {  	s19 =	sld [smem:$0x3FDB];
	_ =	sdelay $0x1  }
0x99: {  	s4 =	simm.s32 $_scs_section_size  }
0x9a: {  	s5 =	simm.s32 $_size__tile_overlayer_lowered;
	s6 =	simm.s32 $_tile_overlayer_lowered  }
0x9b: {  	s22 =	simm.s32 $0x1BFF;
	s21 =	sshll.u32 s6, $0x1;
	s3 =	sadd.s32 s4, s19  }
0x9c: {  	s7 =	simm.s32 $0x0;
	s20 =	sshll.u32 s5, $0x1;
	s5 =	sadd.s32 s21, s3  }
0x9d: {  	[timem:s7], [sflag:s22] =	dma.local [hbm:s5], s20  }
0x9e: {  	_ =	swait.ge [sflag:s22], s20  }
0x9f: {  	s4 =	ssub.s32 $0x0, s20;
	[sflag:s22] =	ssyncset.done $0x0  }
0xa0: {  	[sflag:s22] =	ssyncadd.s32 s4;
	_ =	sdelay $0x1  }
0xa1: {  	s23 =	simm.s32 $0x1B8B  }
0xa2: {  	_ =	swait.ge [sflag:s23], $0x1  }
0xa3: {  	[sflag:s23] =	ssyncset.done $0x0  }
0xa4: {  	s25 =	simm.s32 $0x1B8E;
	s24 =	sld [smem:$0x3FFE];
	[sflag:s23] =	ssyncadd.s32 $0xFFFFFFFF  }
0xa5: {  	s26 =	simm.s32 $execute0_lowered;
	[smem:$0x3FD2] =	sst s25  }
0xa6: {  	s5 =	sshll.u32 s26, $0x1;
	_ =	strace $0x80000046;
	[dreg:$0x1] =	wrdreg $0xFFFFFFFF  }
0xa7: {  	s28 =	simm.s32 $_size_execute0_lowered;
	s3 =	sadd.s32 s3, s5;
	[dreg:$0x0] =	wrdreg $0x0  }
0xa8: {  	s5 =	sshll.u32 s28, $0x1;
	[dreg:$0x2] =	wrdreg s3  }
0xa9: {  	[dreg:$0x3] =	wrdreg s5  }
0xaa: {  	[dreg:$0x4] =	wrdreg $0xC0  }
0xab: {  	_ =	task [dreg:s7], $0x5FFFF  }
0xac: {  	[dreg:$0x1] =	wrdreg $0xFFFFFFFF  }
0xad: {  	[dreg:$0x0] =	wrdreg $0x60  }
0xae: {  	[dreg:$0x2] =	wrdreg s2  }
0xaf: {  	[dreg:$0x3] =	wrdreg s24  }
0xb0: {  	[dreg:$0x4] =	wrdreg $0x9  }
0xb1: {  	_ =	task.clear_ibuf [dreg:s7], $0x5FFFF;
	_ =	strace $0x90000046  }
0xb2: {  	s29 =	simm.s32 $0x9;
	_ =	strace $0x80000048  }
0xb3: {  	_ =	swait.ge [sflag:s29], $0x1  }
0xb4: {  	[sflag:s29] =	ssyncadd.s32 $0xFFFFFFFF  }
0xb5: {  	_ =	strace $0x90000048  }
0xb6: {  	_ =	sfence  }
0xb7: {  	s30 =	sld [smem:$0x0];
	_ =	sdelay $0x2  }
0xb8: {  	s31 =	sshll.u32 s1, $0xD;
	s1 =	sshrl.u32 s1, $0x2  }
0xb9: {  	s3 =	sand.u32 $0x4000, s31;
	s1 =	sadd.s32 s1, s30  }
0xba: {  	s0 =	sor.u32 s3, s0;
	s1 =	sshll.u32 s1, $0x11  }
0xbb: {  	s0 =	sor.u32 s1, s0  }
0xbc: {  	s0 =	sadd.s32 $0x8F2B, s0  }
0xbd: {  	[sflag:s0] =	ssyncadd.remote.s32 $0x1  }
0xbe: {  	_ =	sfence.sel $0xFFFF  }
0xbf: {  	[dreg:$0x0] =	wrdreg $0xFFFFFFFF;
	(pc) =	sbr.abs _section_cstart, $3  }
0xc0: {  	[dreg:$0x1] =	wrdreg $0xFFFFFFFF  }
0xc1: {  	_ =	task.clear_ibuf [dreg:s7], $0x2FFFF;
	_ =	strace $0x9FFFFFFF  }
0xc2: {  	(tm) =	ssettm $0x7FFFFFFF  }
0xc3: {  	_ =	shalt  }
tec
execute0_lowered:
.L_overlay_start_1:
0x0: {  	(tag) =	ssettag $0x1  }
0x1: {  	s1 =	rddreg [dreg:$0x0]  }
0x2: {  	s0 =	rddreg [dreg:$0x1];
	s2 =	srdreg.scid;
	s3 =	simm.s32 $0x0  }
0x3: {  	s5 =	stileid.u32;
	s2 =	sand.u32 $0x1, s2;
	[smem:$0x7FF] =	sst s3  }
0x4: {  	s5 =	sshll.u32 s5, $0x4;
	s9 =	sadd.s32 $0x200, s0;
	s10 =	sadd.s32 $0x400, s0  }
0x5: {  	s8 =	sadd.s32 $0x700, s0;
	s4 =	sshll.u32 s2, $0x8;
	s2 =	ssub.s32 $0x2, s2  }
0x6: {  	_ =	strace $0x80000047;
	s7 =	sor.u32 s5, s4;
	s31 =	sshrl.u32 s2, $0x1  }
0x7: {  	s5 =	sadd.s32 $0x100, s1;
	s4 =	sadd.s32 s9, s7;
	s6 =	sadd.s32 s10, s7  }
0x8: {  	s2 =	ssub.s32 s2, s31;
	s11 =	sor.u32 $0x8, s7;
	[dreg:$0x3] =	wrdreg s4  }
0x9: {  	s7 =	sadd.s32 $0x300, s1;
	s4 =	sadd.s32 $0x600, s0;
	[dreg:$0x4] =	wrdreg s6  }
0xa: {  	v2 =	vlaneseq.u32;
	s6 =	sadd.s32 $0x200, s1;
	s12 =	sadd.s32 s9, s11;
	s9 =	sadd.s32 $0x800, s0  }
0xb: {  	vm0 =	vmmov $0xffff;
	v1 =	vshrl.u32 v2, $0x3;
	s11 =	sadd.s32 s10, s11;
	s10 =	sadd.s32 $0x900, s0;
	[dreg:$0x5] =	wrdreg s12  }
0xc: {  	v0 =	vand.u32 $0x7, v2;
	v2 =	vor.u32 $0x8, v2;
	v1 =	vmul.u32 $0x8, v1;
	[dreg:$0x6] =	wrdreg s11;
	s11 =	smax.u32 s2, $0x1;
	s12 =	simm.s32 $0x3  }
.LBB2_1:
0xd: {  	s29 =	rddreg [dreg:$0x3]  }
0xe: {  	[tilespmem:s3], [sflag:$0x3] =	stream.linear.gather [hbm4b:s29+s3], $0x40, $0x38;
	[tilespmem:$0x10100] =	vst v63  }
0xf: {  	_ =	swait.ge [sflag:s12], $0x40  }
0x10: {  	[sflag:s12] =	ssyncset.done $0x0  }
0x11: {  	s0 =	simm.s32 $0x80;
	s21 =	rddreg [dreg:$0x4];
	[sflag:s12] =	ssyncadd.s32 $0xFFFFFFC0  }
0x12: {  	[tilespmem:s0], [sflag:$0x3] =	stream.linear.gather [hbm4b:s21+s3], $0x40, $0x38;
	[tilespmem:$0x10100] =	vst v63  }
0x13: {  	_ =	swait.ge [sflag:s12], $0x40  }
0x14: {  	[sflag:s12] =	ssyncset.done $0x0  }
0x15: {  	[sflag:s12] =	ssyncadd.s32 $0xFFFFFFC0  }
0x16: {  	v3 =	vld [tilespmem:$0x0];
	_ =	sdelay $0x4  }
0x17: {  	v4 =	vshll.u32 v3, $0x3  }
0x18: {  	v3 =	vand.u32 $0x7, v3;
	v4 =	vand.u32 $0xFFFFFFC0, v4  }
0x19: {  	v3 =	vor.u32 v3, v4  }
0x1a: {  	v4 =	vperm.xlane v3, v0;
	_ =	sdelay $0x1  }
0x1b: {  	v4 =	vadd.s32 v1, v4;
	_ =	sdelay $0x3  }
0x1c: {  	s22 =	simm.s32 $0x100  }
0x1d: {  	[tilespmem:s22], [sflag:$0x1] =	stream.indirect_vreg.gather [hbm4b:s1+s3], $0x80, v4, vm0, $0xb8;
	[tilespmem:$0x10100] =	vst v63  }
0x1e: {  	s23 =	simm.s32 $0x900;
	v3 =	vperm.xlane v3, v2  }
0x1f: {  	[tilespmem:s23], [sflag:$0x1] =	stream.indirect_vreg.gather [hbm4b:s5+s3], $0x80, v4, vm0, $0xb8;
	[tilespmem:$0x10100] =	vst v63  }
0x20: {  	s24 =	simm.s32 $0x1100;
	v3 =	vadd.s32 v1, v3  }
0x21: {  	[tilespmem:s24], [sflag:$0x1] =	stream.indirect_vreg.gather [hbm4b:s6+s3], $0x80, v4, vm0, $0xb8;
	[tilespmem:$0x10100] =	vst v63  }
0x22: {  	s25 =	simm.s32 $0x1900  }
0x23: {  	[tilespmem:s25], [sflag:$0x1] =	stream.indirect_vreg.gather [hbm4b:s7+s3], $0x80, v4, vm0, $0xb8;
	[tilespmem:$0x10100] =	vst v63  }
0x24: {  	s26 =	simm.s32 $0x2100  }
0x25: {  	[tilespmem:s26], [sflag:$0x1] =	stream.indirect_vreg.gather [hbm4b:s1+s3], $0x80, v3, vm0, $0xb8;
	[tilespmem:$0x10100] =	vst v63  }
0x26: {  	s28 =	simm.s32 $0x2900  }
0x27: {  	[tilespmem:s28], [sflag:$0x1] =	stream.indirect_vreg.gather [hbm4b:s5+s3], $0x80, v3, vm0, $0xb8;
	[tilespmem:$0x10100] =	vst v63  }
0x28: {  	s29 =	simm.s32 $0x3100  }
0x29: {  	[tilespmem:s29], [sflag:$0x1] =	stream.indirect_vreg.gather [hbm4b:s6+s3], $0x80, v3, vm0, $0xb8;
	[tilespmem:$0x10100] =	vst v63  }
0x2a: {  	s30 =	simm.s32 $0x3900  }
0x2b: {  	[tilespmem:s30], [sflag:$0x1] =	stream.indirect_vreg.gather [hbm4b:s7+s3], $0x80, v3, vm0, $0xb8;
	[tilespmem:$0x10100] =	vst v63  }
0x2c: {  	v3 =	vld [tilespmem:$0x10];
	_ =	sdelay $0x4  }
0x2d: {  	v49 =	vshll.u32 v3, $0x3  }
0x2e: {  	v3 =	vand.u32 $0x7, v3;
	v4 =	vand.u32 $0xFFFFFFC0, v49  }
0x2f: {  	v3 =	vor.u32 v3, v4  }
0x30: {  	v4 =	vperm.xlane v3, v0;
	_ =	sdelay $0x1  }
0x31: {  	v4 =	vadd.s32 v1, v4;
	_ =	sdelay $0x3  }
0x32: {  	s31 =	simm.s32 $0x4100  }
0x33: {  	[tilespmem:s31], [sflag:$0x1] =	stream.indirect_vreg.gather [hbm4b:s1+s3], $0x80, v4, vm0, $0xb8;
	[tilespmem:$0x10100] =	vst v63  }
0x34: {  	s13 =	simm.s32 $0x4900;
	v3 =	vperm.xlane v3, v2  }
0x35: {  	[tilespmem:s13], [sflag:$0x1] =	stream.indirect_vreg.gather [hbm4b:s5+s3], $0x80, v4, vm0, $0xb8;
	[tilespmem:$0x10100] =	vst v63  }
0x36: {  	s14 =	simm.s32 $0x5100;
	v3 =	vadd.s32 v1, v3  }
0x37: {  	[tilespmem:s14], [sflag:$0x1] =	stream.indirect_vreg.gather [hbm4b:s6+s3], $0x80, v4, vm0, $0xb8;
	[tilespmem:$0x10100] =	vst v63  }
0x38: {  	s15 =	simm.s32 $0x5900  }
0x39: {  	[tilespmem:s15], [sflag:$0x1] =	stream.indirect_vreg.gather [hbm4b:s7+s3], $0x80, v4, vm0, $0xb8;
	[tilespmem:$0x10100] =	vst v63  }
0x3a: {  	s19 =	simm.s32 $0x6100  }
0x3b: {  	[tilespmem:s19], [sflag:$0x1] =	stream.indirect_vreg.gather [hbm4b:s1+s3], $0x80, v3, vm0, $0xb8;
	[tilespmem:$0x10100] =	vst v63  }
0x3c: {  	s20 =	simm.s32 $0x6900  }
0x3d: {  	[tilespmem:s20], [sflag:$0x1] =	stream.indirect_vreg.gather [hbm4b:s5+s3], $0x80, v3, vm0, $0xb8;
	[tilespmem:$0x10100] =	vst v63  }
0x3e: {  	s21 =	simm.s32 $0x7100  }
0x3f: {  	[tilespmem:s21], [sflag:$0x1] =	stream.indirect_vreg.gather [hbm4b:s6+s3], $0x80, v3, vm0, $0xb8;
	[tilespmem:$0x10100] =	vst v63  }
0x40: {  	s29 =	simm.s32 $0x7900  }
0x41: {  	[tilespmem:s29], [sflag:$0x1] =	stream.indirect_vreg.gather [hbm4b:s7+s3], $0x80, v3, vm0, $0xb8;
	[tilespmem:$0x10100] =	vst v63  }
0x42: {  	v3 =	vld [tilespmem:$0x20];
	_ =	sdelay $0x4  }
0x43: {  	v50 =	vshll.u32 v3, $0x3  }
0x44: {  	v3 =	vand.u32 $0x7, v3;
	v4 =	vand.u32 $0xFFFFFFC0, v50  }
0x45: {  	v3 =	vor.u32 v3, v4  }
0x46: {  	v4 =	vperm.xlane v3, v0;
	_ =	sdelay $0x1  }
0x47: {  	v4 =	vadd.s32 v1, v4;
	_ =	sdelay $0x3  }
0x48: {  	s13 =	simm.s32 $0x8100  }
0x49: {  	[tilespmem:s13], [sflag:$0x1] =	stream.indirect_vreg.gather [hbm4b:s1+s3], $0x80, v4, vm0, $0xb8;
	[tilespmem:$0x10100] =	vst v63  }
0x4a: {  	s14 =	simm.s32 $0x8900;
	v3 =	vperm.xlane v3, v2  }
0x4b: {  	[tilespmem:s14], [sflag:$0x1] =	stream.indirect_vreg.gather [hbm4b:s5+s3], $0x80, v4, vm0, $0xb8;
	[tilespmem:$0x10100] =	vst v63  }
0x4c: {  	s15 =	simm.s32 $0x9100;
	v3 =	vadd.s32 v1, v3  }
0x4d: {  	[tilespmem:s15], [sflag:$0x1] =	stream.indirect_vreg.gather [hbm4b:s6+s3], $0x80, v4, vm0, $0xb8;
	[tilespmem:$0x10100] =	vst v63  }
0x4e: {  	s29 =	simm.s32 $0x9900  }
0x4f: {  	[tilespmem:s29], [sflag:$0x1] =	stream.indirect_vreg.gather [hbm4b:s7+s3], $0x80, v4, vm0, $0xb8;
	[tilespmem:$0x10100] =	vst v63  }
0x50: {  	s13 =	simm.s32 $0xA100  }
0x51: {  	[tilespmem:s13], [sflag:$0x1] =	stream.indirect_vreg.gather [hbm4b:s1+s3], $0x80, v3, vm0, $0xb8;
	[tilespmem:$0x10100] =	vst v63  }
0x52: {  	s14 =	simm.s32 $0xA900  }
0x53: {  	[tilespmem:s14], [sflag:$0x1] =	stream.indirect_vreg.gather [hbm4b:s5+s3], $0x80, v3, vm0, $0xb8;
	[tilespmem:$0x10100] =	vst v63  }
0x54: {  	s15 =	simm.s32 $0xB100  }
0x55: {  	[tilespmem:s15], [sflag:$0x1] =	stream.indirect_vreg.gather [hbm4b:s6+s3], $0x80, v3, vm0, $0xb8;
	[tilespmem:$0x10100] =	vst v63  }
0x56: {  	s13 =	simm.s32 $0xB900  }
0x57: {  	[tilespmem:s13], [sflag:$0x1] =	stream.indirect_vreg.gather [hbm4b:s7+s3], $0x80, v3, vm0, $0xb8;
	[tilespmem:$0x10100] =	vst v63  }
0x58: {  	v3 =	vld [tilespmem:$0x30];
	_ =	sdelay $0x4  }
0x59: {  	v51 =	vshll.u32 v3, $0x3  }
0x5a: {  	v3 =	vand.u32 $0x7, v3;
	v4 =	vand.u32 $0xFFFFFFC0, v51  }
0x5b: {  	v3 =	vor.u32 v3, v4  }
0x5c: {  	v4 =	vperm.xlane v3, v0;
	_ =	sdelay $0x1  }
0x5d: {  	v4 =	vadd.s32 v1, v4;
	_ =	sdelay $0x3  }
0x5e: {  	s14 =	simm.s32 $0xC100  }
0x5f: {  	[tilespmem:s14], [sflag:$0x1] =	stream.indirect_vreg.gather [hbm4b:s1+s3], $0x80, v4, vm0, $0xb8;
	[tilespmem:$0x10100] =	vst v63  }
0x60: {  	s15 =	simm.s32 $0xC900;
	v3 =	vperm.xlane v3, v2  }
0x61: {  	[tilespmem:s15], [sflag:$0x1] =	stream.indirect_vreg.gather [hbm4b:s5+s3], $0x80, v4, vm0, $0xb8;
	[tilespmem:$0x10100] =	vst v63  }
0x62: {  	s0 =	simm.s32 $0xD100;
	v3 =	vadd.s32 v1, v3  }
0x63: {  	[tilespmem:s0], [sflag:$0x1] =	stream.indirect_vreg.gather [hbm4b:s6+s3], $0x80, v4, vm0, $0xb8;
	[tilespmem:$0x10100] =	vst v63  }
0x64: {  	s0 =	simm.s32 $0xD900  }
0x65: {  	[tilespmem:s0], [sflag:$0x1] =	stream.indirect_vreg.gather [hbm4b:s7+s3], $0x80, v4, vm0, $0xb8;
	[tilespmem:$0x10100] =	vst v63  }
0x66: {  	s0 =	simm.s32 $0xE100  }
0x67: {  	[tilespmem:s0], [sflag:$0x1] =	stream.indirect_vreg.gather [hbm4b:s1+s3], $0x80, v3, vm0, $0xb8;
	[tilespmem:$0x10100] =	vst v63  }
0x68: {  	s0 =	simm.s32 $0xE900  }
0x69: {  	[tilespmem:s0], [sflag:$0x1] =	stream.indirect_vreg.gather [hbm4b:s5+s3], $0x80, v3, vm0, $0xb8;
	[tilespmem:$0x10100] =	vst v63  }
0x6a: {  	s0 =	simm.s32 $0xF100  }
0x6b: {  	[tilespmem:s0], [sflag:$0x1] =	stream.indirect_vreg.gather [hbm4b:s6+s3], $0x80, v3, vm0, $0xb8;
	[tilespmem:$0x10100] =	vst v63  }
0x6c: {  	s0 =	simm.s32 $0xF900  }
0x6d: {  	[tilespmem:s0], [sflag:$0x1] =	stream.indirect_vreg.gather [hbm4b:s7+s3], $0x80, v3, vm0, $0xb8;
	[tilespmem:$0x10100] =	vst v63  }
0x6e: {  	s0 =	simm.s32 $0x1  }
0x6f: {  	_ =	swait.ge [sflag:s0], $0x10000  }
0x70: {  	[sflag:s0] =	ssyncset.done $0x0  }
0x71: {  	[sflag:s0] =	ssyncadd.s32 $0xFFFF0000  }
0x72: {  	v3 =	vld [tilespmem:$0x80];
	_ =	sdelay $0x4  }
0x73: {  	v52 =	vshll.u32 v3, $0x3  }
0x74: {  	v3 =	vand.u32 $0x7, v3;
	v4 =	vand.u32 $0xFFFFFFC0, v52  }
0x75: {  	v3 =	vor.u32 v3, v4  }
0x76: {  	v4 =	vperm.xlane v3, v0;
	_ =	sdelay $0x1  }
0x77: {  	v4 =	vadd.s32 v1, v4;
	_ =	sdelay $0x3  }
0x78: {  	s22 =	simm.s32 $0x100  }
0x79: {  	[hbm4b:s4+s3] =	stream.indirect_vreg.scatter [tilespmem:s22], [sflag:$0x2], $0x80, v4, vm0, $0xb8;
	[tilespmem:$0x10100] =	vst v63  }
0x7a: {  	s2 =	simm.s32 $0x900;
	v3 =	vperm.xlane v3, v2  }
0x7b: {  	[hbm4b:s8+s3] =	stream.indirect_vreg.scatter [tilespmem:s2], [sflag:$0x2], $0x80, v4, vm0, $0xb8;
	[tilespmem:$0x10100] =	vst v63  }
0x7c: {  	v3 =	vadd.s32 v1, v3;
	s22 =	simm.s32 $0x1100  }
0x7d: {  	[hbm4b:s9+s3] =	stream.indirect_vreg.scatter [tilespmem:s22], [sflag:$0x2], $0x80, v4, vm0, $0xb8;
	[tilespmem:$0x10100] =	vst v63  }
0x7e: {  	s22 =	simm.s32 $0x1900  }
0x7f: {  	[hbm4b:s10+s3] =	stream.indirect_vreg.scatter [tilespmem:s22], [sflag:$0x2], $0x80, v4, vm0, $0xb8;
	[tilespmem:$0x10100] =	vst v63  }
0x80: {  	s23 =	simm.s32 $0x2100  }
0x81: {  	[hbm4b:s4+s3] =	stream.indirect_vreg.scatter [tilespmem:s23], [sflag:$0x2], $0x80, v3, vm0, $0xb8;
	[tilespmem:$0x10100] =	vst v63  }
0x82: {  	s24 =	simm.s32 $0x2900  }
0x83: {  	[hbm4b:s8+s3] =	stream.indirect_vreg.scatter [tilespmem:s24], [sflag:$0x2], $0x80, v3, vm0, $0xb8;
	[tilespmem:$0x10100] =	vst v63  }
0x84: {  	s25 =	simm.s32 $0x3100  }
0x85: {  	[hbm4b:s9+s3] =	stream.indirect_vreg.scatter [tilespmem:s25], [sflag:$0x2], $0x80, v3, vm0, $0xb8;
	[tilespmem:$0x10100] =	vst v63  }
0x86: {  	s16 =	simm.s32 $0x3900  }
0x87: {  	[hbm4b:s10+s3] =	stream.indirect_vreg.scatter [tilespmem:s16], [sflag:$0x2], $0x80, v3, vm0, $0xb8;
	[tilespmem:$0x10100] =	vst v63  }
0x88: {  	v3 =	vld [tilespmem:$0x90];
	_ =	sdelay $0x4  }
0x89: {  	v53 =	vshll.u32 v3, $0x3  }
0x8a: {  	v3 =	vand.u32 $0x7, v3;
	v4 =	vand.u32 $0xFFFFFFC0, v53  }
0x8b: {  	v3 =	vor.u32 v3, v4  }
0x8c: {  	v4 =	vperm.xlane v3, v0;
	_ =	sdelay $0x1  }
0x8d: {  	v4 =	vadd.s32 v1, v4;
	_ =	sdelay $0x3  }
0x8e: {  	s17 =	simm.s32 $0x4100  }
0x8f: {  	[hbm4b:s4+s3] =	stream.indirect_vreg.scatter [tilespmem:s17], [sflag:$0x2], $0x80, v4, vm0, $0xb8;
	[tilespmem:$0x10100] =	vst v63  }
0x90: {  	s18 =	simm.s32 $0x4900;
	v3 =	vperm.xlane v3, v2  }
0x91: {  	[hbm4b:s8+s3] =	stream.indirect_vreg.scatter [tilespmem:s18], [sflag:$0x2], $0x80, v4, vm0, $0xb8;
	[tilespmem:$0x10100] =	vst v63  }
0x92: {  	s26 =	simm.s32 $0x5100;
	v3 =	vadd.s32 v1, v3  }
0x93: {  	[hbm4b:s9+s3] =	stream.indirect_vreg.scatter [tilespmem:s26], [sflag:$0x2], $0x80, v4, vm0, $0xb8;
	[tilespmem:$0x10100] =	vst v63  }
0x94: {  	s28 =	simm.s32 $0x5900  }
0x95: {  	[hbm4b:s10+s3] =	stream.indirect_vreg.scatter [tilespmem:s28], [sflag:$0x2], $0x80, v4, vm0, $0xb8;
	[tilespmem:$0x10100] =	vst v63  }
0x96: {  	s30 =	simm.s32 $0x6100  }
0x97: {  	[hbm4b:s4+s3] =	stream.indirect_vreg.scatter [tilespmem:s30], [sflag:$0x2], $0x80, v3, vm0, $0xb8;
	[tilespmem:$0x10100] =	vst v63  }
0x98: {  	s31 =	simm.s32 $0x6900  }
0x99: {  	[hbm4b:s8+s3] =	stream.indirect_vreg.scatter [tilespmem:s31], [sflag:$0x2], $0x80, v3, vm0, $0xb8;
	[tilespmem:$0x10100] =	vst v63  }
0x9a: {  	s31 =	simm.s32 $0x7100  }
0x9b: {  	[hbm4b:s9+s3] =	stream.indirect_vreg.scatter [tilespmem:s31], [sflag:$0x2], $0x80, v3, vm0, $0xb8;
	[tilespmem:$0x10100] =	vst v63  }
0x9c: {  	s19 =	simm.s32 $0x7900  }
0x9d: {  	[hbm4b:s10+s3] =	stream.indirect_vreg.scatter [tilespmem:s19], [sflag:$0x2], $0x80, v3, vm0, $0xb8;
	[tilespmem:$0x10100] =	vst v63  }
0x9e: {  	v3 =	vld [tilespmem:$0xA0];
	_ =	sdelay $0x4  }
0x9f: {  	v54 =	vshll.u32 v3, $0x3  }
0xa0: {  	v3 =	vand.u32 $0x7, v3;
	v4 =	vand.u32 $0xFFFFFFC0, v54  }
0xa1: {  	v3 =	vor.u32 v3, v4  }
0xa2: {  	v4 =	vperm.xlane v3, v0;
	_ =	sdelay $0x1  }
0xa3: {  	v4 =	vadd.s32 v1, v4;
	_ =	sdelay $0x3  }
0xa4: {  	s20 =	simm.s32 $0x8100  }
0xa5: {  	[hbm4b:s4+s3] =	stream.indirect_vreg.scatter [tilespmem:s20], [sflag:$0x2], $0x80, v4, vm0, $0xb8;
	[tilespmem:$0x10100] =	vst v63  }
0xa6: {  	s21 =	simm.s32 $0x8900;
	v3 =	vperm.xlane v3, v2  }
0xa7: {  	[hbm4b:s8+s3] =	stream.indirect_vreg.scatter [tilespmem:s21], [sflag:$0x2], $0x80, v4, vm0, $0xb8;
	[tilespmem:$0x10100] =	vst v63  }
0xa8: {  	s16 =	simm.s32 $0x9100;
	v3 =	vadd.s32 v1, v3  }
0xa9: {  	[hbm4b:s9+s3] =	stream.indirect_vreg.scatter [tilespmem:s16], [sflag:$0x2], $0x80, v4, vm0, $0xb8;
	[tilespmem:$0x10100] =	vst v63  }
0xaa: {  	s29 =	simm.s32 $0x9900  }
0xab: {  	[hbm4b:s10+s3] =	stream.indirect_vreg.scatter [tilespmem:s29], [sflag:$0x2], $0x80, v4, vm0, $0xb8;
	[tilespmem:$0x10100] =	vst v63  }
0xac: {  	s18 =	simm.s32 $0xA100  }
0xad: {  	[hbm4b:s4+s3] =	stream.indirect_vreg.scatter [tilespmem:s18], [sflag:$0x2], $0x80, v3, vm0, $0xb8;
	[tilespmem:$0x10100] =	vst v63  }
0xae: {  	s19 =	simm.s32 $0xA900  }
0xaf: {  	[hbm4b:s8+s3] =	stream.indirect_vreg.scatter [tilespmem:s19], [sflag:$0x2], $0x80, v3, vm0, $0xb8;
	[tilespmem:$0x10100] =	vst v63  }
0xb0: {  	s21 =	simm.s32 $0xB100  }
0xb1: {  	[hbm4b:s9+s3] =	stream.indirect_vreg.scatter [tilespmem:s21], [sflag:$0x2], $0x80, v3, vm0, $0xb8;
	[tilespmem:$0x10100] =	vst v63  }
0xb2: {  	s13 =	simm.s32 $0xB900  }
0xb3: {  	[hbm4b:s10+s3] =	stream.indirect_vreg.scatter [tilespmem:s13], [sflag:$0x2], $0x80, v3, vm0, $0xb8;
	[tilespmem:$0x10100] =	vst v63  }
0xb4: {  	v3 =	vld [tilespmem:$0xB0];
	_ =	sdelay $0x4  }
0xb5: {  	v55 =	vshll.u32 v3, $0x3  }
0xb6: {  	v3 =	vand.u32 $0x7, v3;
	v4 =	vand.u32 $0xFFFFFFC0, v55  }
0xb7: {  	v3 =	vor.u32 v3, v4  }
0xb8: {  	v4 =	vperm.xlane v3, v0;
	_ =	sdelay $0x1  }
0xb9: {  	v4 =	vadd.s32 v1, v4;
	_ =	sdelay $0x3  }
0xba: {  	s14 =	simm.s32 $0xC100  }
0xbb: {  	[hbm4b:s4+s3] =	stream.indirect_vreg.scatter [tilespmem:s14], [sflag:$0x2], $0x80, v4, vm0, $0xb8;
	[tilespmem:$0x10100] =	vst v63  }
0xbc: {  	s15 =	simm.s32 $0xC900;
	v3 =	vperm.xlane v3, v2  }
0xbd: {  	[hbm4b:s8+s3] =	stream.indirect_vreg.scatter [tilespmem:s15], [sflag:$0x2], $0x80, v4, vm0, $0xb8;
	[tilespmem:$0x10100] =	vst v63  }
0xbe: {  	s22 =	simm.s32 $0xD100;
	v3 =	vadd.s32 v1, v3  }
0xbf: {  	[hbm4b:s9+s3] =	stream.indirect_vreg.scatter [tilespmem:s22], [sflag:$0x2], $0x80, v4, vm0, $0xb8;
	[tilespmem:$0x10100] =	vst v63  }
0xc0: {  	s23 =	simm.s32 $0xD900  }
0xc1: {  	[hbm4b:s10+s3] =	stream.indirect_vreg.scatter [tilespmem:s23], [sflag:$0x2], $0x80, v4, vm0, $0xb8;
	[tilespmem:$0x10100] =	vst v63  }
0xc2: {  	s24 =	simm.s32 $0xE100  }
0xc3: {  	[hbm4b:s4+s3] =	stream.indirect_vreg.scatter [tilespmem:s24], [sflag:$0x2], $0x80, v3, vm0, $0xb8;
	[tilespmem:$0x10100] =	vst v63  }
0xc4: {  	s28 =	simm.s32 $0xE900  }
0xc5: {  	[hbm4b:s8+s3] =	stream.indirect_vreg.scatter [tilespmem:s28], [sflag:$0x2], $0x80, v3, vm0, $0xb8;
	[tilespmem:$0x10100] =	vst v63  }
0xc6: {  	s29 =	simm.s32 $0xF100  }
0xc7: {  	[hbm4b:s9+s3] =	stream.indirect_vreg.scatter [tilespmem:s29], [sflag:$0x2], $0x80, v3, vm0, $0xb8;
	[tilespmem:$0x10100] =	vst v63  }
0xc8: {  	s2 =	simm.s32 $0x2;
	s30 =	simm.s32 $0xF900  }
0xc9: {  	[hbm4b:s10+s3] =	stream.indirect_vreg.scatter [tilespmem:s30], [sflag:$0x2], $0x80, v3, vm0, $0xb8;
	[tilespmem:$0x10100] =	vst v63  }
0xca: {  	_ =	swait.ge [sflag:s2], $0x10000  }
0xcb: {  	[sflag:s2] =	ssyncset.done $0x0  }
0xcc: {  	s13 =	rddreg [dreg:$0x5];
	[sflag:s2] =	ssyncadd.s32 $0xFFFF0000  }
0xcd: {  	[tilespmem:s3], [sflag:$0x3] =	stream.linear.gather [hbm4b:s13+s3], $0x40, $0x38;
	[tilespmem:$0x10100] =	vst v63  }
0xce: {  	_ =	swait.ge [sflag:s12], $0x40  }
0xcf: {  	[sflag:s12] =	ssyncset.done $0x0  }
0xd0: {  	s15 =	simm.s32 $0x80;
	s14 =	rddreg [dreg:$0x6];
	[sflag:s12] =	ssyncadd.s32 $0xFFFFFFC0  }
0xd1: {  	[tilespmem:s15], [sflag:$0x3] =	stream.linear.gather [hbm4b:s14+s3], $0x40, $0x38;
	[tilespmem:$0x10100] =	vst v63  }
0xd2: {  	_ =	swait.ge [sflag:s12], $0x40  }
0xd3: {  	[sflag:s12] =	ssyncset.done $0x0  }
0xd4: {  	[sflag:s12] =	ssyncadd.s32 $0xFFFFFFC0  }
0xd5: {  	v3 =	vld [tilespmem:$0x0];
	_ =	sdelay $0x4  }
0xd6: {  	v56 =	vshll.u32 v3, $0x3  }
0xd7: {  	v3 =	vand.u32 $0x7, v3;
	v4 =	vand.u32 $0xFFFFFFC0, v56  }
0xd8: {  	v3 =	vor.u32 v3, v4  }
0xd9: {  	v4 =	vperm.xlane v3, v0;
	_ =	sdelay $0x1  }
0xda: {  	v4 =	vadd.s32 v1, v4;
	_ =	sdelay $0x3  }
0xdb: {  	s16 =	simm.s32 $0x100  }
0xdc: {  	[tilespmem:s16], [sflag:$0x1] =	stream.indirect_vreg.gather [hbm4b:s1+s3], $0x80, v4, vm0, $0xb8;
	[tilespmem:$0x10100] =	vst v63  }
0xdd: {  	s18 =	simm.s32 $0x900;
	v3 =	vperm.xlane v3, v2  }
0xde: {  	[tilespmem:s18], [sflag:$0x1] =	stream.indirect_vreg.gather [hbm4b:s5+s3], $0x80, v4, vm0, $0xb8;
	[tilespmem:$0x10100] =	vst v63  }
0xdf: {  	s29 =	simm.s32 $0x1100;
	v3 =	vadd.s32 v1, v3  }
0xe0: {  	[tilespmem:s29], [sflag:$0x1] =	stream.indirect_vreg.gather [hbm4b:s6+s3], $0x80, v4, vm0, $0xb8;
	[tilespmem:$0x10100] =	vst v63  }
0xe1: {  	s23 =	simm.s32 $0x1900  }
0xe2: {  	[tilespmem:s23], [sflag:$0x1] =	stream.indirect_vreg.gather [hbm4b:s7+s3], $0x80, v4, vm0, $0xb8;
	[tilespmem:$0x10100] =	vst v63  }
0xe3: {  	s13 =	simm.s32 $0x2100  }
0xe4: {  	[tilespmem:s13], [sflag:$0x1] =	stream.indirect_vreg.gather [hbm4b:s1+s3], $0x80, v3, vm0, $0xb8;
	[tilespmem:$0x10100] =	vst v63  }
0xe5: {  	s16 =	simm.s32 $0x2900  }
0xe6: {  	[tilespmem:s16], [sflag:$0x1] =	stream.indirect_vreg.gather [hbm4b:s5+s3], $0x80, v3, vm0, $0xb8;
	[tilespmem:$0x10100] =	vst v63  }
0xe7: {  	s18 =	simm.s32 $0x3100  }
0xe8: {  	[tilespmem:s18], [sflag:$0x1] =	stream.indirect_vreg.gather [hbm4b:s6+s3], $0x80, v3, vm0, $0xb8;
	[tilespmem:$0x10100] =	vst v63  }
0xe9: {  	s28 =	simm.s32 $0x3900  }
0xea: {  	[tilespmem:s28], [sflag:$0x1] =	stream.indirect_vreg.gather [hbm4b:s7+s3], $0x80, v3, vm0, $0xb8;
	[tilespmem:$0x10100] =	vst v63  }
0xeb: {  	v3 =	vld [tilespmem:$0x10];
	_ =	sdelay $0x4  }
0xec: {  	v57 =	vshll.u32 v3, $0x3  }
0xed: {  	v3 =	vand.u32 $0x7, v3;
	v4 =	vand.u32 $0xFFFFFFC0, v57  }
0xee: {  	v3 =	vor.u32 v3, v4  }
0xef: {  	v4 =	vperm.xlane v3, v0;
	_ =	sdelay $0x1  }
0xf0: {  	v4 =	vadd.s32 v1, v4;
	_ =	sdelay $0x3  }
0xf1: {  	s17 =	simm.s32 $0x4100  }
0xf2: {  	[tilespmem:s17], [sflag:$0x1] =	stream.indirect_vreg.gather [hbm4b:s1+s3], $0x80, v4, vm0, $0xb8;
	[tilespmem:$0x10100] =	vst v63  }
0xf3: {  	s30 =	simm.s32 $0x4900;
	v3 =	vperm.xlane v3, v2  }
0xf4: {  	[tilespmem:s30], [sflag:$0x1] =	stream.indirect_vreg.gather [hbm4b:s5+s3], $0x80, v4, vm0, $0xb8;
	[tilespmem:$0x10100] =	vst v63  }
0xf5: {  	s26 =	simm.s32 $0x5100;
	v3 =	vadd.s32 v1, v3  }
0xf6: {  	[tilespmem:s26], [sflag:$0x1] =	stream.indirect_vreg.gather [hbm4b:s6+s3], $0x80, v4, vm0, $0xb8;
	[tilespmem:$0x10100] =	vst v63  }
0xf7: {  	s14 =	simm.s32 $0x5900  }
0xf8: {  	[tilespmem:s14], [sflag:$0x1] =	stream.indirect_vreg.gather [hbm4b:s7+s3], $0x80, v4, vm0, $0xb8;
	[tilespmem:$0x10100] =	vst v63  }
0xf9: {  	s14 =	simm.s32 $0x6100  }
0xfa: {  	[tilespmem:s14], [sflag:$0x1] =	stream.indirect_vreg.gather [hbm4b:s1+s3], $0x80, v3, vm0, $0xb8;
	[tilespmem:$0x10100] =	vst v63  }
0xfb: {  	s17 =	simm.s32 $0x6900  }
0xfc: {  	[tilespmem:s17], [sflag:$0x1] =	stream.indirect_vreg.gather [hbm4b:s5+s3], $0x80, v3, vm0, $0xb8;
	[tilespmem:$0x10100] =	vst v63  }
0xfd: {  	s15 =	simm.s32 $0x7100  }
0xfe: {  	[tilespmem:s15], [sflag:$0x1] =	stream.indirect_vreg.gather [hbm4b:s6+s3], $0x80, v3, vm0, $0xb8;
	[tilespmem:$0x10100] =	vst v63  }
0xff: {  	s26 =	simm.s32 $0x7900  }
0x100: {  	[tilespmem:s26], [sflag:$0x1] =	stream.indirect_vreg.gather [hbm4b:s7+s3], $0x80, v3, vm0, $0xb8;
	[tilespmem:$0x10100] =	vst v63  }
0x101: {  	v3 =	vld [tilespmem:$0x20];
	_ =	sdelay $0x4  }
0x102: {  	v58 =	vshll.u32 v3, $0x3  }
0x103: {  	v3 =	vand.u32 $0x7, v3;
	v4 =	vand.u32 $0xFFFFFFC0, v58  }
0x104: {  	v3 =	vor.u32 v3, v4  }
0x105: {  	v4 =	vperm.xlane v3, v0;
	_ =	sdelay $0x1  }
0x106: {  	v4 =	vadd.s32 v1, v4;
	_ =	sdelay $0x3  }
0x107: {  	s20 =	simm.s32 $0x8100  }
0x108: {  	[tilespmem:s20], [sflag:$0x1] =	stream.indirect_vreg.gather [hbm4b:s1+s3], $0x80, v4, vm0, $0xb8;
	[tilespmem:$0x10100] =	vst v63  }
0x109: {  	s26 =	simm.s32 $0x8900;
	v3 =	vperm.xlane v3, v2  }
0x10a: {  	[tilespmem:s26], [sflag:$0x1] =	stream.indirect_vreg.gather [hbm4b:s5+s3], $0x80, v4, vm0, $0xb8;
	[tilespmem:$0x10100] =	vst v63  }
0x10b: {  	v3 =	vadd.s32 v1, v3;
	s20 =	simm.s32 $0x9100  }
0x10c: {  	[tilespmem:s20], [sflag:$0x1] =	stream.indirect_vreg.gather [hbm4b:s6+s3], $0x80, v4, vm0, $0xb8;
	[tilespmem:$0x10100] =	vst v63  }
0x10d: {  	s31 =	simm.s32 $0x9900  }
0x10e: {  	[tilespmem:s31], [sflag:$0x1] =	stream.indirect_vreg.gather [hbm4b:s7+s3], $0x80, v4, vm0, $0xb8;
	[tilespmem:$0x10100] =	vst v63  }
0x10f: {  	s15 =	simm.s32 $0xA100  }
0x110: {  	[tilespmem:s15], [sflag:$0x1] =	stream.indirect_vreg.gather [hbm4b:s1+s3], $0x80, v3, vm0, $0xb8;
	[tilespmem:$0x10100] =	vst v63  }
0x111: {  	s20 =	simm.s32 $0xA900  }
0x112: {  	[tilespmem:s20], [sflag:$0x1] =	stream.indirect_vreg.gather [hbm4b:s5+s3], $0x80, v3, vm0, $0xb8;
	[tilespmem:$0x10100] =	vst v63  }
0x113: {  	s19 =	simm.s32 $0xB100  }
0x114: {  	[tilespmem:s19], [sflag:$0x1] =	stream.indirect_vreg.gather [hbm4b:s6+s3], $0x80, v3, vm0, $0xb8;
	[tilespmem:$0x10100] =	vst v63  }
0x115: {  	s15 =	simm.s32 $0xB900  }
0x116: {  	[tilespmem:s15], [sflag:$0x1] =	stream.indirect_vreg.gather [hbm4b:s7+s3], $0x80, v3, vm0, $0xb8;
	[tilespmem:$0x10100] =	vst v63  }
0x117: {  	v3 =	vld [tilespmem:$0x30];
	_ =	sdelay $0x4  }
0x118: {  	v59 =	vshll.u32 v3, $0x3  }
0x119: {  	v3 =	vand.u32 $0x7, v3;
	v4 =	vand.u32 $0xFFFFFFC0, v59  }
0x11a: {  	v3 =	vor.u32 v3, v4  }
0x11b: {  	v4 =	vperm.xlane v3, v0;
	_ =	sdelay $0x1  }
0x11c: {  	v4 =	vadd.s32 v1, v4;
	_ =	sdelay $0x3  }
0x11d: {  	s19 =	simm.s32 $0xC100  }
0x11e: {  	[tilespmem:s19], [sflag:$0x1] =	stream.indirect_vreg.gather [hbm4b:s1+s3], $0x80, v4, vm0, $0xb8;
	[tilespmem:$0x10100] =	vst v63  }
0x11f: {  	s20 =	simm.s32 $0xC900;
	v3 =	vperm.xlane v3, v2  }
0x120: {  	[tilespmem:s20], [sflag:$0x1] =	stream.indirect_vreg.gather [hbm4b:s5+s3], $0x80, v4, vm0, $0xb8;
	[tilespmem:$0x10100] =	vst v63  }
0x121: {  	s25 =	simm.s32 $0xD100;
	v3 =	vadd.s32 v1, v3  }
0x122: {  	[tilespmem:s25], [sflag:$0x1] =	stream.indirect_vreg.gather [hbm4b:s6+s3], $0x80, v4, vm0, $0xb8;
	[tilespmem:$0x10100] =	vst v63  }
0x123: {  	s21 =	simm.s32 $0xD900  }
0x124: {  	[tilespmem:s21], [sflag:$0x1] =	stream.indirect_vreg.gather [hbm4b:s7+s3], $0x80, v4, vm0, $0xb8;
	[tilespmem:$0x10100] =	vst v63  }
0x125: {  	s24 =	simm.s32 $0xE100  }
0x126: {  	[tilespmem:s24], [sflag:$0x1] =	stream.indirect_vreg.gather [hbm4b:s1+s3], $0x80, v3, vm0, $0xb8;
	[tilespmem:$0x10100] =	vst v63  }
0x127: {  	s24 =	simm.s32 $0xE900  }
0x128: {  	[tilespmem:s24], [sflag:$0x1] =	stream.indirect_vreg.gather [hbm4b:s5+s3], $0x80, v3, vm0, $0xb8;
	[tilespmem:$0x10100] =	vst v63  }
0x129: {  	s22 =	simm.s32 $0xF100  }
0x12a: {  	[tilespmem:s22], [sflag:$0x1] =	stream.indirect_vreg.gather [hbm4b:s6+s3], $0x80, v3, vm0, $0xb8;
	[tilespmem:$0x10100] =	vst v63  }
0x12b: {  	s24 =	simm.s32 $0xF900  }
0x12c: {  	[tilespmem:s24], [sflag:$0x1] =	stream.indirect_vreg.gather [hbm4b:s7+s3], $0x80, v3, vm0, $0xb8;
	[tilespmem:$0x10100] =	vst v63  }
0x12d: {  	_ =	swait.ge [sflag:s0], $0x10000  }
0x12e: {  	[sflag:s0] =	ssyncset.done $0x0  }
0x12f: {  	[sflag:s0] =	ssyncadd.s32 $0xFFFF0000  }
0x130: {  	v3 =	vld [tilespmem:$0x80];
	_ =	sdelay $0x4  }
0x131: {  	v60 =	vshll.u32 v3, $0x3  }
0x132: {  	v3 =	vand.u32 $0x7, v3;
	v4 =	vand.u32 $0xFFFFFFC0, v60  }
0x133: {  	v3 =	vor.u32 v3, v4  }
0x134: {  	v4 =	vperm.xlane v3, v0;
	_ =	sdelay $0x1  }
0x135: {  	v4 =	vadd.s32 v1, v4;
	_ =	sdelay $0x3  }
0x136: {  	s0 =	simm.s32 $0x100  }
0x137: {  	[hbm4b:s4+s3] =	stream.indirect_vreg.scatter [tilespmem:s0], [sflag:$0x2], $0x80, v4, vm0, $0xb8;
	[tilespmem:$0x10100] =	vst v63  }
0x138: {  	v3 =	vperm.xlane v3, v2;
	s0 =	simm.s32 $0x900  }
0x139: {  	[hbm4b:s8+s3] =	stream.indirect_vreg.scatter [tilespmem:s0], [sflag:$0x2], $0x80, v4, vm0, $0xb8;
	[tilespmem:$0x10100] =	vst v63  }
0x13a: {  	v3 =	vadd.s32 v1, v3  }
0x13b: {  	[hbm4b:s9+s3] =	stream.indirect_vreg.scatter [tilespmem:s29], [sflag:$0x2], $0x80, v4, vm0, $0xb8;
	[tilespmem:$0x10100] =	vst v63  }
0x13c: {  	s23 =	simm.s32 $0x1900  }
0x13d: {  	[hbm4b:s10+s3] =	stream.indirect_vreg.scatter [tilespmem:s23], [sflag:$0x2], $0x80, v4, vm0, $0xb8;
	[tilespmem:$0x10100] =	vst v63  }
0x13e: {  	_ = 	snop  }
0x13f: {  	[hbm4b:s4+s3] =	stream.indirect_vreg.scatter [tilespmem:s13], [sflag:$0x2], $0x80, v3, vm0, $0xb8;
	[tilespmem:$0x10100] =	vst v63  }
0x140: {  	_ = 	snop  }
0x141: {  	[hbm4b:s8+s3] =	stream.indirect_vreg.scatter [tilespmem:s16], [sflag:$0x2], $0x80, v3, vm0, $0xb8;
	[tilespmem:$0x10100] =	vst v63  }
0x142: {  	_ = 	snop  }
0x143: {  	[hbm4b:s9+s3] =	stream.indirect_vreg.scatter [tilespmem:s18], [sflag:$0x2], $0x80, v3, vm0, $0xb8;
	[tilespmem:$0x10100] =	vst v63  }
0x144: {  	s23 =	simm.s32 $0x3900  }
0x145: {  	[hbm4b:s10+s3] =	stream.indirect_vreg.scatter [tilespmem:s23], [sflag:$0x2], $0x80, v3, vm0, $0xb8;
	[tilespmem:$0x10100] =	vst v63  }
0x146: {  	v3 =	vld [tilespmem:$0x90];
	_ =	sdelay $0x4  }
0x147: {  	v61 =	vshll.u32 v3, $0x3  }
0x148: {  	v3 =	vand.u32 $0x7, v3;
	v4 =	vand.u32 $0xFFFFFFC0, v61  }
0x149: {  	v3 =	vor.u32 v3, v4  }
0x14a: {  	v4 =	vperm.xlane v3, v0;
	_ =	sdelay $0x1  }
0x14b: {  	v4 =	vadd.s32 v1, v4;
	_ =	sdelay $0x3  }
0x14c: {  	s29 =	simm.s32 $0x4100  }
0x14d: {  	[hbm4b:s4+s3] =	stream.indirect_vreg.scatter [tilespmem:s29], [sflag:$0x2], $0x80, v4, vm0, $0xb8;
	[tilespmem:$0x10100] =	vst v63  }
0x14e: {  	s13 =	simm.s32 $0x4900;
	v3 =	vperm.xlane v3, v2  }
0x14f: {  	[hbm4b:s8+s3] =	stream.indirect_vreg.scatter [tilespmem:s13], [sflag:$0x2], $0x80, v4, vm0, $0xb8;
	[tilespmem:$0x10100] =	vst v63  }
0x150: {  	s28 =	simm.s32 $0x5100;
	v3 =	vadd.s32 v1, v3  }
0x151: {  	[hbm4b:s9+s3] =	stream.indirect_vreg.scatter [tilespmem:s28], [sflag:$0x2], $0x80, v4, vm0, $0xb8;
	[tilespmem:$0x10100] =	vst v63  }
0x152: {  	s30 =	simm.s32 $0x5900  }
0x153: {  	[hbm4b:s10+s3] =	stream.indirect_vreg.scatter [tilespmem:s30], [sflag:$0x2], $0x80, v4, vm0, $0xb8;
	[tilespmem:$0x10100] =	vst v63  }
0x154: {  	_ = 	snop  }
0x155: {  	[hbm4b:s4+s3] =	stream.indirect_vreg.scatter [tilespmem:s14], [sflag:$0x2], $0x80, v3, vm0, $0xb8;
	[tilespmem:$0x10100] =	vst v63  }
0x156: {  	_ = 	snop  }
0x157: {  	[hbm4b:s8+s3] =	stream.indirect_vreg.scatter [tilespmem:s17], [sflag:$0x2], $0x80, v3, vm0, $0xb8;
	[tilespmem:$0x10100] =	vst v63  }
0x158: {  	s14 =	simm.s32 $0x7100  }
0x159: {  	[hbm4b:s9+s3] =	stream.indirect_vreg.scatter [tilespmem:s14], [sflag:$0x2], $0x80, v3, vm0, $0xb8;
	[tilespmem:$0x10100] =	vst v63  }
0x15a: {  	s16 =	simm.s32 $0x7900  }
0x15b: {  	[hbm4b:s10+s3] =	stream.indirect_vreg.scatter [tilespmem:s16], [sflag:$0x2], $0x80, v3, vm0, $0xb8;
	[tilespmem:$0x10100] =	vst v63  }
0x15c: {  	v3 =	vld [tilespmem:$0xA0];
	_ =	sdelay $0x4  }
0x15d: {  	v62 =	vshll.u32 v3, $0x3  }
0x15e: {  	v3 =	vand.u32 $0x7, v3;
	v4 =	vand.u32 $0xFFFFFFC0, v62  }
0x15f: {  	v3 =	vor.u32 v3, v4  }
0x160: {  	v4 =	vperm.xlane v3, v0;
	_ =	sdelay $0x1  }
0x161: {  	v4 =	vadd.s32 v1, v4;
	_ =	sdelay $0x3  }
0x162: {  	s17 =	simm.s32 $0x8100  }
0x163: {  	[hbm4b:s4+s3] =	stream.indirect_vreg.scatter [tilespmem:s17], [sflag:$0x2], $0x80, v4, vm0, $0xb8;
	[tilespmem:$0x10100] =	vst v63  }
0x164: {  	s18 =	simm.s32 $0x8900;
	v3 =	vperm.xlane v3, v2  }
0x165: {  	[hbm4b:s8+s3] =	stream.indirect_vreg.scatter [tilespmem:s18], [sflag:$0x2], $0x80, v4, vm0, $0xb8;
	[tilespmem:$0x10100] =	vst v63  }
0x166: {  	s23 =	simm.s32 $0x9100;
	v3 =	vadd.s32 v1, v3  }
0x167: {  	[hbm4b:s9+s3] =	stream.indirect_vreg.scatter [tilespmem:s23], [sflag:$0x2], $0x80, v4, vm0, $0xb8;
	[tilespmem:$0x10100] =	vst v63  }
0x168: {  	s31 =	simm.s32 $0x9900  }
0x169: {  	[hbm4b:s10+s3] =	stream.indirect_vreg.scatter [tilespmem:s31], [sflag:$0x2], $0x80, v4, vm0, $0xb8;
	[tilespmem:$0x10100] =	vst v63  }
0x16a: {  	s28 =	simm.s32 $0xA100  }
0x16b: {  	[hbm4b:s4+s3] =	stream.indirect_vreg.scatter [tilespmem:s28], [sflag:$0x2], $0x80, v3, vm0, $0xb8;
	[tilespmem:$0x10100] =	vst v63  }
0x16c: {  	s29 =	simm.s32 $0xA900  }
0x16d: {  	[hbm4b:s8+s3] =	stream.indirect_vreg.scatter [tilespmem:s29], [sflag:$0x2], $0x80, v3, vm0, $0xb8;
	[tilespmem:$0x10100] =	vst v63  }
0x16e: {  	s30 =	simm.s32 $0xB100  }
0x16f: {  	[hbm4b:s9+s3] =	stream.indirect_vreg.scatter [tilespmem:s30], [sflag:$0x2], $0x80, v3, vm0, $0xb8;
	[tilespmem:$0x10100] =	vst v63  }
0x170: {  	_ = 	snop  }
0x171: {  	[hbm4b:s10+s3] =	stream.indirect_vreg.scatter [tilespmem:s15], [sflag:$0x2], $0x80, v3, vm0, $0xb8;
	[tilespmem:$0x10100] =	vst v63  }
0x172: {  	v3 =	vld [tilespmem:$0xB0];
	_ =	sdelay $0x4  }
0x173: {  	v63 =	vshll.u32 v3, $0x3  }
0x174: {  	v3 =	vand.u32 $0x7, v3;
	v4 =	vand.u32 $0xFFFFFFC0, v63  }
0x175: {  	v3 =	vor.u32 v3, v4  }
0x176: {  	v4 =	vperm.xlane v3, v0;
	_ =	sdelay $0x1  }
0x177: {  	v4 =	vadd.s32 v1, v4;
	_ =	sdelay $0x4  }
0x178: {  	[hbm4b:s4+s3] =	stream.indirect_vreg.scatter [tilespmem:s19], [sflag:$0x2], $0x80, v4, vm0, $0xb8;
	[tilespmem:$0x10100] =	vst v63  }
0x179: {  	v3 =	vperm.xlane v3, v2  }
0x17a: {  	[hbm4b:s8+s3] =	stream.indirect_vreg.scatter [tilespmem:s20], [sflag:$0x2], $0x80, v4, vm0, $0xb8;
	[tilespmem:$0x10100] =	vst v63  }
0x17b: {  	s26 =	simm.s32 $0xD100;
	v3 =	vadd.s32 v1, v3  }
0x17c: {  	[hbm4b:s9+s3] =	stream.indirect_vreg.scatter [tilespmem:s26], [sflag:$0x2], $0x80, v4, vm0, $0xb8;
	[tilespmem:$0x10100] =	vst v63  }
0x17d: {  	s21 =	simm.s32 $0xD900  }
0x17e: {  	[hbm4b:s10+s3] =	stream.indirect_vreg.scatter [tilespmem:s21], [sflag:$0x2], $0x80, v4, vm0, $0xb8;
	[tilespmem:$0x10100] =	vst v63  }
0x17f: {  	s25 =	simm.s32 $0xE100  }
0x180: {  	[hbm4b:s4+s3] =	stream.indirect_vreg.scatter [tilespmem:s25], [sflag:$0x2], $0x80, v3, vm0, $0xb8;
	[tilespmem:$0x10100] =	vst v63  }
0x181: {  	s31 =	simm.s32 $0xE900  }
0x182: {  	[hbm4b:s8+s3] =	stream.indirect_vreg.scatter [tilespmem:s31], [sflag:$0x2], $0x80, v3, vm0, $0xb8;
	[tilespmem:$0x10100] =	vst v63  }
0x183: {  	p0 =	sne.s32 s11, $0x1;
	s22 =	simm.s32 $0xF100  }
0x184: {  	[hbm4b:s9+s3] =	stream.indirect_vreg.scatter [tilespmem:s22], [sflag:$0x2], $0x80, v3, vm0, $0xb8;
	[tilespmem:$0x10100] =	vst v63  }
.Ltmp0:
0x185: {  	s24 =	simm.s32 $0xF900;
	(pc) =	sbr.rel @p0 .LBB2_1-.Ltmp0, $4  }
0x186: {  	[hbm4b:s10+s3] =	stream.indirect_vreg.scatter [tilespmem:s24], [sflag:$0x2], $0x80, v3, vm0, $0xb8;
	[tilespmem:$0x10100] =	vst v63  }
0x187: {  	_ =	swait.ge [sflag:s2], $0x10000  }
0x188: {  	[sflag:s2] =	ssyncset.done $0x0  }
0x189: {  	s11 =	sadd.s32 $0xFFFFFFFF, s11;
	[sflag:s2] =	ssyncadd.s32 $0xFFFF0000  }
0x18a: {  	_ =	sfence.sel $0x180000  }
0x18b: {  	[bflag:$0x0] =	sbarrier.arrive $0xFFFF  }
0x18c: {  	_ =	strace $0x90000047  }
0x18d: {  	s0 =	stileid.u32;
	[bflag:$0x2] =	sbarrier.arrive $0xFFFF  }
0x18e: {  	p0 =	sne.s32 s0, $0x0;
	s0 =	rddreg [dreg:$0x2]  }
0x18f: {  	s0 =	sadd.s32 @!p0 $0x100000, s0  }
0x190: {  	[sflag:s0] =	ssyncadd.tile.s32 @!p0 $0x1;
	_ =	shalt  }
.Lfunc_end2:
_tile_overlayer_lowered:
.L_overlay_start_2:
0x191: {  	(tag) =	ssettag $0x2  }
0x192: {  	s0 =	rddreg [dreg:$0x0];
	s2 =	stileid.u32  }
0x193: {  	s1 =	rddreg [dreg:$0x1];
	p0 =	sne.s32 s2, $0x0  }
0x194: {  	s3 =	rddreg [dreg:$0x2];
	[bflag:$0x3] =	sbarrier.arrive $0xFFFF;
	s2 =	simm.s32 @!p0 $0x1C03  }
0x195: {  	[timem:s3], [sflag:s2] =	dma.local @!p0 [hbm:s0], s1  }
0x196: {  	s0 =	simm.s32 @!p0 $0x3  }
0x197: {  	_ =	swait.ge @!p0 [sflag:s0], s1  }
0x198: {  	s1 =	ssub.s32 @!p0 $0x0, s1;
	[sflag:s0] =	ssyncset.done @!p0 $0x0  }
0x199: {  	[sflag:s0] =	ssyncadd.s32 @!p0 s1  }
0x19a: {  	[bflag:$0x3] =	sbarrier.arrive $0xFFFF  }
0x19b: {  	_ =	shalt  }

</sc_bundles>
